<compile_context>
chip_gen: v7x
topology: tpu7x:2x2x1
jax: 0.10.2.dev20260603
libtpu: 0.0.44.dev20260713+nightly
codegen_flags: <defaults>
</compile_context>

<pallas_src>
import functools

import jax
import jax.numpy as jnp
from jax import lax
from jax.experimental import pallas as pl
from jax.experimental.pallas import tpu as pltpu
from jax.experimental.pallas import tpu_sc as plsc

NC = 2
NS = 16
NW = NC * NS
BE = 128
BR = 512
LANES = 16


def _sc_degree(dstp3, zeros, n_pad, ew, h):
    nb = ew // BE
    mesh = plsc.VectorSubcoreMesh(core_axis_name="c", subcore_axis_name="s")

    @functools.partial(
        pl.kernel,
        out_type=jax.ShapeDtypeStruct((NC, n_pad, h), jnp.float32),
        mesh=mesh,
        scratch_types=[
            pltpu.VMEM((nb, BE), jnp.int32),
            pltpu.VMEM((BE, h), jnp.float32),
            pltpu.VMEM_SHARED((n_pad, h), jnp.float32),
            pltpu.SemaphoreType.DMA,
        ],
    )
    def deg_kernel(dst_hbm, z_hbm, out_hbm, idst_v, ones_v, acc_sh, sem_s):
        c = lax.axis_index("c")
        s = lax.axis_index("s")
        w = c * NS + s
        one16 = jnp.ones((LANES,), jnp.float32)

        def fill_ones(i, carry):
            for j in range(h // LANES):
                ones_v[i, pl.ds(j * LANES, LANES)] = one16
            return carry

        lax.fori_loop(0, BE, fill_ones, 0)
        pltpu.sync_copy(dst_hbm.at[w], idst_v)

        @pl.when(s == 0)
        def _():
            pltpu.sync_copy(z_hbm, acc_sh)
        plsc.subcore_barrier()

        def scat(i):
            return pltpu.make_async_copy(
                ones_v, acc_sh.at[idst_v.at[i]], sem_s)

        scat(0).start(add=True)

        def step(i, carry):
            scat(i).start(add=True)
            scat(i - 1).wait()
            return carry

        lax.fori_loop(1, nb, step, 0)
        scat(nb - 1).wait()
        plsc.subcore_barrier()

        @pl.when(s == 0)
        def _():
            pltpu.sync_copy(acc_sh, out_hbm.at[c])

    return deg_kernel(dstp3, zeros)


def _sc_aggregate(g, srcp3, dstp3, zeros, n_pad, ew, h):
    nb = ew // BE
    mesh = plsc.VectorSubcoreMesh(core_axis_name="c", subcore_axis_name="s")

    @functools.partial(
        pl.kernel,
        out_type=jax.ShapeDtypeStruct((NC, n_pad, h), jnp.float32),
        mesh=mesh,
        scratch_types=[
            pltpu.VMEM((2, BE), jnp.int32),
            pltpu.VMEM((nb, BE), jnp.int32),
            pltpu.VMEM((2, BE, h), jnp.float32),
            pltpu.VMEM_SHARED((n_pad, h), jnp.float32),
            pltpu.SemaphoreType.DMA,
            pltpu.SemaphoreType.DMA,
            pltpu.SemaphoreType.DMA,
        ],
    )
    def agg_kernel(g_hbm, src_hbm, dst_hbm, z_hbm, out_hbm,
                   isrc_v, idst_v, rows_v, acc_sh, sem_g, sem_s, sem_i):
        c = lax.axis_index("c")
        s = lax.axis_index("s")
        w = c * NS + s
        pltpu.sync_copy(dst_hbm.at[w], idst_v)

        @pl.when(s == 0)
        def _():
            pltpu.sync_copy(z_hbm, acc_sh)
        plsc.subcore_barrier()

        def iload(i, slot):
            return pltpu.make_async_copy(
                src_hbm.at[w, i], isrc_v.at[slot], sem_i)

        def gath(slot):
            return pltpu.make_async_copy(
                g_hbm.at[isrc_v.at[slot]], rows_v.at[slot], sem_g)

        def scat(i, slot):
            return pltpu.make_async_copy(
                rows_v.at[slot], acc_sh.at[idst_v.at[i]], sem_s)

        iload(0, 0).start()
        iload(0, 0).wait()
        gath(0).start()

        def step(i, carry):
            slot = lax.rem(i, 2)
            nslot = lax.rem(i + 1, 2)

            @pl.when(i + 1 < nb)
            def _():
                iload(i + 1, nslot).start()

            gath(slot).wait()

            @pl.when(i >= 1)
            def _():
                scat(i - 1, nslot).wait()

            @pl.when(i + 1 < nb)
            def _():
                iload(i + 1, nslot).wait()
                gath(nslot).start()

            scat(i, slot).start(add=True)
            return carry

        lax.fori_loop(0, nb, step, 0)
        scat(nb - 1, lax.rem(nb - 1, 2)).wait()
        plsc.subcore_barrier()

        @pl.when(s == 0)
        def _():
            pltpu.sync_copy(acc_sh, out_hbm.at[c])

    return agg_kernel(g, srcp3, dstp3, zeros)


def _tc_first(xp, degp, W1, n, n_pad, h):
    grid = n_pad // BR

    def body(x_ref, deg_ref, w_ref, g_ref, dinv_ref):
        i = pl.program_id(0)
        rows = i * BR + lax.broadcasted_iota(jnp.int32, (BR, 1), 0)
        deg = deg_ref[0, :, 0:1] + deg_ref[1, :, 0:1] + 1.0
        dinv = jnp.where(rows < n, lax.rsqrt(deg), 0.0)
        dinv_ref[...] = dinv
        g_ref[...] = dinv * jnp.dot(x_ref[...], w_ref[...],
                                    preferred_element_type=jnp.float32)

    return pl.pallas_call(
        body,
        grid=(grid,),
        in_specs=[
            pl.BlockSpec((BR, h), lambda i: (i, 0)),
            pl.BlockSpec((NC, BR, h), lambda i: (0, i, 0)),
            pl.BlockSpec((h, h), lambda i: (0, 0)),
        ],
        out_specs=[
            pl.BlockSpec((BR, h), lambda i: (i, 0)),
            pl.BlockSpec((BR, 1), lambda i: (i, 0)),
        ],
        out_shape=[
            jax.ShapeDtypeStruct((n_pad, h), jnp.float32),
            jax.ShapeDtypeStruct((n_pad, 1), jnp.float32),
        ],
    )(xp, degp, W1)


def _tc_mid(acc, gprev, dinv, b, W, n_pad, h):
    grid = n_pad // BR

    def body(acc_ref, g_ref, dinv_ref, b_ref, w_ref, out_ref):
        dinv_blk = dinv_ref[...]
        hpre = dinv_blk * (acc_ref[0] + acc_ref[1] + g_ref[...]) + b_ref[...]
        hact = jnp.maximum(hpre, 0.0)
        out_ref[...] = dinv_blk * jnp.dot(hact, w_ref[...],
                                          preferred_element_type=jnp.float32)

    return pl.pallas_call(
        body,
        grid=(grid,),
        in_specs=[
            pl.BlockSpec((NC, BR, h), lambda i: (0, i, 0)),
            pl.BlockSpec((BR, h), lambda i: (i, 0)),
            pl.BlockSpec((BR, 1), lambda i: (i, 0)),
            pl.BlockSpec((1, h), lambda i: (0, 0)),
            pl.BlockSpec((h, h), lambda i: (0, 0)),
        ],
        out_specs=pl.BlockSpec((BR, h), lambda i: (i, 0)),
        out_shape=jax.ShapeDtypeStruct((n_pad, h), jnp.float32),
    )(acc, gprev, dinv, b, W)


def _tc_pool(acc, g3, dinv, b3, batchp, Wl, bl, n_pad, h, ngr, ncls):
    grid = n_pad // BR

    def body(acc_ref, g_ref, dinv_ref, b_ref, batch_ref, wl_ref, bl_ref,
             out_ref, sums, cnts):
        i = pl.program_id(0)
        h4 = dinv_ref[...] * (acc_ref[0] + acc_ref[1] + g_ref[...]) + b_ref[...]
        cols = lax.broadcasted_iota(jnp.int32, (BR, ngr), 1)
        onehot = (batch_ref[...] == cols).astype(jnp.float32)
        part = lax.dot_general(onehot, h4, (((0,), (0,)), ((), ())),
                               preferred_element_type=jnp.float32)
        pcnt = lax.dot_general(onehot, jnp.ones((BR, h), jnp.float32),
                               (((0,), (0,)), ((), ())),
                               preferred_element_type=jnp.float32)

        @pl.when(i == 0)
        def _():
            sums[...] = part
            cnts[...] = pcnt

        @pl.when(i > 0)
        def _():
            sums[...] = sums[...] + part
            cnts[...] = cnts[...] + pcnt

        @pl.when(i == pl.num_programs(0) - 1)
        def _():
            pooled = sums[...] / jnp.maximum(cnts[...], 1.0)
            out_ref[...] = jnp.dot(pooled, wl_ref[...],
                                   preferred_element_type=jnp.float32) + bl_ref[...]

    return pl.pallas_call(
        body,
        grid=(grid,),
        in_specs=[
            pl.BlockSpec((NC, BR, h), lambda i: (0, i, 0)),
            pl.BlockSpec((BR, h), lambda i: (i, 0)),
            pl.BlockSpec((BR, 1), lambda i: (i, 0)),
            pl.BlockSpec((1, h), lambda i: (0, 0)),
            pl.BlockSpec((BR, 1), lambda i: (i, 0)),
            pl.BlockSpec((h, ncls), lambda i: (0, 0)),
            pl.BlockSpec((1, ncls), lambda i: (0, 0)),
        ],
        out_specs=pl.BlockSpec((ngr, ncls), lambda i: (0, 0)),
        out_shape=jax.ShapeDtypeStruct((ngr, ncls), jnp.float32),
        scratch_shapes=[
            pltpu.VMEM((ngr, h), jnp.float32),
            pltpu.VMEM((ngr, h), jnp.float32),
        ],
    )(acc, g3, dinv, b3, batchp, Wl, bl)


def kernel(x, edge_index, batch, W1, b1, W2, b2, W3, b3, Wl, bl):
    n, d = x.shape
    h = W1.shape[1]
    ncls = Wl.shape[1]
    ngr = 64
    e = edge_index.shape[1]

    n_pad = ((n + BR - 1) // BR) * BR
    ew = ((e + NW * BE - 1) // (NW * BE)) * BE
    e_pad = NW * ew

    src = edge_index[0]
    dst = edge_index[1]
    pad_e = e_pad - e
    nb = ew // BE
    srcp = jnp.concatenate([src, jnp.zeros((pad_e,), jnp.int32)]).reshape(NW, nb, BE)
    dstp = jnp.concatenate([dst, jnp.full((pad_e,), n, jnp.int32)]).reshape(NW, nb, BE)
    xp = jnp.pad(x, ((0, n_pad - n), (0, 0)))
    batchp = jnp.pad(batch, (0, n_pad - n), constant_values=ngr).reshape(n_pad, 1)
    zeros = jnp.zeros((n_pad, h), jnp.float32)
    b1r = b1.reshape(1, h)
    b2r = b2.reshape(1, h)
    b3r = b3.reshape(1, h)
    blr = bl.reshape(1, ncls)

    degp = _sc_degree(dstp, zeros, n_pad, ew, h)
    g1, dinv = _tc_first(xp, degp, W1, n, n_pad, h)
    acc1 = _sc_aggregate(g1, srcp, dstp, zeros, n_pad, ew, h)
    g2 = _tc_mid(acc1, g1, dinv, b1r, W2, n_pad, h)
    acc2 = _sc_aggregate(g2, srcp, dstp, zeros, n_pad, ew, h)
    g3 = _tc_mid(acc2, g2, dinv, b2r, W3, n_pad, h)
    acc3 = _sc_aggregate(g3, srcp, dstp, zeros, n_pad, ew, h)
    return _tc_pool(acc3, g3, dinv, b3r, batchp, Wl, blr,
                    n_pad=n_pad, h=h, ngr=ngr, ncls=ncls)

# --- scband reference (transcript-rebuilt; emitter-appended) ---
"""Pipeline reference for scband-gcn-32590211842292 (READ-ONLY COPY).

The authoritative reference and input builder live on the scoring server;
editing this copy changes nothing except your own understanding.
"""

import jax, jax.numpy as jnp
import numpy as np

N = 10000
E = 320000
D = 128
H = 128
C = 64
G = 64


def setup_inputs(seed: int = 0) -> dict:
    key = jax.random.key(seed)
    ks = jax.random.split(key, 12)
    x = jax.random.normal(ks[0], (N, D), dtype=jnp.float32)
    edge_index = jax.random.randint(ks[1], (2, E), 0, N, dtype=jnp.int32)
    batch = jnp.sort(jax.random.randint(ks[2], (N,), 0, G, dtype=jnp.int32))
    s1 = 1.0 / np.sqrt(D)
    s2 = 1.0 / np.sqrt(H)
    W1 = jax.random.normal(ks[3], (D, H), dtype=jnp.float32) * s1
    b1 = jnp.zeros((H,), dtype=jnp.float32)
    W2 = jax.random.normal(ks[4], (H, H), dtype=jnp.float32) * s2
    b2 = jnp.zeros((H,), dtype=jnp.float32)
    W3 = jax.random.normal(ks[5], (H, H), dtype=jnp.float32) * s2
    b3 = jnp.zeros((H,), dtype=jnp.float32)
    Wl = jax.random.normal(ks[6], (H, C), dtype=jnp.float32) * s2
    bl = jnp.zeros((C,), dtype=jnp.float32)
    return {"x": x, "edge_index": edge_index, "batch": batch,
            "W1": W1, "b1": b1, "W2": W2, "b2": b2, "W3": W3, "b3": b3,
            "Wl": Wl, "bl": bl}


def reference(x, edge_index, batch, W1, b1, W2, b2, W3, b3, Wl, bl):
    num_nodes = x.shape[0]
    # GCNConv semantics: add self loops + symmetric degree normalization
    loop = jnp.arange(num_nodes, dtype=edge_index.dtype)
    src = jnp.concatenate([edge_index[0], loop])
    dst = jnp.concatenate([edge_index[1], loop])
    deg = jax.ops.segment_sum(jnp.ones_like(dst, dtype=x.dtype), dst, num_segments=num_nodes)
    dinv = jnp.where(deg > 0, jax.lax.rsqrt(deg), 0.0)
    norm = dinv[src] * dinv[dst]

    def conv(h, W, b):
        hw = h @ W
        msg = hw[src] * norm[:, None]
        return jax.ops.segment_sum(msg, dst, num_segments=num_nodes) + b

    h = jax.nn.relu(conv(x, W1, b1))
    h = jax.nn.relu(conv(h, W2, b2))
    h = conv(h, W3, b3)
    # global_mean_pool over graphs
    sums = jax.ops.segment_sum(h, batch, num_segments=G)
    cnts = jax.ops.segment_sum(jnp.ones((num_nodes,), dtype=h.dtype), batch, num_segments=G)
    pooled = sums / jnp.clip(cnts, 1.0, None)[:, None]
    # dropout is identity in eval mode
    return pooled @ Wl + bl

if __name__ == "__main__":
    import jax
    _d = setup_inputs()
    print(jax.jit(kernel)(*tuple(_d.values())))

</pallas_src>

<mosaic_0001>
#map = affine_map<(d0, d1) -> (0, 0)>
#map1 = affine_map<(d0, d1) -> (0, 0, 0)>
module attributes {stable_mosaic.version = 14 : i64} {
  func.func @agg_kernel(%arg0: i32, %arg1: i32, %arg2: memref<10240x128xf32, #tpu.memory_space<hbm>>, %arg3: memref<32x79x128xi32, #tpu.memory_space<hbm>>, %arg4: memref<32x79x128xi32, #tpu.memory_space<hbm>>, %arg5: memref<10240x128xf32, #tpu.memory_space<hbm>>, %arg6: memref<2x10240x128xf32, #tpu.memory_space<hbm>>, %arg7: memref<2x128xi32, #tpu.memory_space<vmem>>, %arg8: memref<79x128xi32, #tpu.memory_space<vmem>>, %arg9: memref<2x128x128xf32, #tpu.memory_space<vmem>>, %arg10: memref<10240x128xf32, #tpu.memory_space<vmem_shared>>, %arg11: memref<!tpu.dma_semaphore, #tpu.memory_space<semaphore_mem>>, %arg12: memref<!tpu.dma_semaphore, #tpu.memory_space<semaphore_mem>>, %arg13: memref<!tpu.dma_semaphore, #tpu.memory_space<semaphore_mem>>) attributes {dimension_semantics = [#tpu.dimension_semantics<core_parallel>, #tpu.dimension_semantics<subcore_parallel>], iteration_bounds = array<i64: 2, 16>, scalar_prefetch = 0 : i64, scratch_operands = 7 : i64, tpu.core_type = #tpu.core_type<sc_vector_subcore>, window_params = [{transform_indices = #map}, {transform_indices = #map1}, {transform_indices = #map1}, {transform_indices = #map}, {transform_indices = #map1}]} {
    %mul3A = arith.constant 16 : i32
    %mul3A_0 = arith.muli %arg0, %mul3A : i32
    %add3A = arith.addi %mul3A_0, %arg1 : i32
    "tpu.region"() ({
      %run_scoped3A = tpu.sem_alloc : memref<!tpu.dma_semaphore, #tpu.memory_space<semaphore_mem>>
      %dma_start3A_65 = arith.constant 0 : i32
      %dma_start3A_66 = arith.constant 0 : i32
      %dma_start3A_67 = tpu.memref_slice %arg4[%add3A, %dma_start3A_65, %dma_start3A_66] : memref<32x79x128xi32, #tpu.memory_space<hbm>> -> memref<1x79x128xi32, #tpu.memory_space<hbm>>
      %dma_start3A_68 = tpu.memref_squeeze %dma_start3A_67 : memref<1x79x128xi32, #tpu.memory_space<hbm>> -> memref<79x128xi32, #tpu.memory_space<hbm>>
      %dma_start3A_69 = arith.constant 0 : i32
      %dma_start3A_70 = arith.constant 0 : i32
      %dma_start3A_71 = tpu.memref_slice %arg4[%add3A, %dma_start3A_69, %dma_start3A_70] : memref<32x79x128xi32, #tpu.memory_space<hbm>> -> memref<1x79x128xi32, #tpu.memory_space<hbm>>
      %dma_start3A_72 = tpu.memref_squeeze %dma_start3A_71 : memref<1x79x128xi32, #tpu.memory_space<hbm>> -> memref<79x128xi32, #tpu.memory_space<hbm>>
      tpu.enqueue_dma source(%dma_start3A_72 : memref<79x128xi32, #tpu.memory_space<hbm>>) target(%arg8 : memref<79x128xi32, #tpu.memory_space<vmem>>) target_semaphore(%run_scoped3A : memref<!tpu.dma_semaphore, #tpu.memory_space<semaphore_mem>>)
      %dma_wait3A_73 = arith.constant 0 : i32
      %dma_wait3A_74 = arith.constant 0 : i32
      %dma_wait3A_75 = tpu.memref_slice %arg4[%add3A, %dma_wait3A_73, %dma_wait3A_74] : memref<32x79x128xi32, #tpu.memory_space<hbm>> -> memref<1x79x128xi32, #tpu.memory_space<hbm>>
      %dma_wait3A_76 = tpu.memref_squeeze %dma_wait3A_75 : memref<1x79x128xi32, #tpu.memory_space<hbm>> -> memref<79x128xi32, #tpu.memory_space<hbm>>
      %dma_wait3A_77 = arith.constant 0 : i32
      %dma_wait3A_78 = arith.constant 0 : i32
      %dma_wait3A_79 = tpu.memref_slice %arg4[%add3A, %dma_wait3A_77, %dma_wait3A_78] : memref<32x79x128xi32, #tpu.memory_space<hbm>> -> memref<1x79x128xi32, #tpu.memory_space<hbm>>
      %dma_wait3A_80 = tpu.memref_squeeze %dma_wait3A_79 : memref<1x79x128xi32, #tpu.memory_space<hbm>> -> memref<79x128xi32, #tpu.memory_space<hbm>>
      tpu.wait_dma2 semaphore(%run_scoped3A : memref<!tpu.dma_semaphore, #tpu.memory_space<semaphore_mem>>) src(%dma_wait3A_80 : memref<79x128xi32, #tpu.memory_space<hbm>>) dst(%arg8 : memref<79x128xi32, #tpu.memory_space<vmem>>)
      tpu.yield
    }) : () -> ()
    %eq3A = arith.constant 0 : i32
    %eq3A_1 = arith.cmpi eq, %arg1, %eq3A : i32
    %convert_element_type3A = arith.extui %eq3A_1 : i1 to i32
    %cond3A = arith.constant 0 : i32
    %cond3A_2 = arith.cmpi ne, %convert_element_type3A, %cond3A : i32
    scf.if %cond3A_2 {
      "tpu.region"() ({
        %run_scoped3A = tpu.sem_alloc : memref<!tpu.dma_semaphore, #tpu.memory_space<semaphore_mem>>
        tpu.enqueue_dma source(%arg5 : memref<10240x128xf32, #tpu.memory_space<hbm>>) target(%arg10 : memref<10240x128xf32, #tpu.memory_space<vmem_shared>>) target_semaphore(%run_scoped3A : memref<!tpu.dma_semaphore, #tpu.memory_space<semaphore_mem>>)
        tpu.wait_dma2 semaphore(%run_scoped3A : memref<!tpu.dma_semaphore, #tpu.memory_space<semaphore_mem>>) src(%arg5 : memref<10240x128xf32, #tpu.memory_space<hbm>>) dst(%arg10 : memref<10240x128xf32, #tpu.memory_space<vmem_shared>>)
        tpu.yield
      }) : () -> ()
    } else {
    }
    %barrier3A = arith.constant 0 : index
    tpu.barrier barrier_id(%barrier3A)
    %dma_start3A = arith.constant 0 : i32
    %dma_start3A_3 = arith.constant 0 : i32
    %dma_start3A_4 = arith.constant 0 : i32
    %dma_start3A_5 = tpu.memref_slice %arg7[%dma_start3A_3, %dma_start3A_4] : memref<2x128xi32, #tpu.memory_space<vmem>> -> memref<1x128xi32, #tpu.memory_space<vmem>>
    %dma_start3A_6 = tpu.memref_squeeze %dma_start3A_5 : memref<1x128xi32, #tpu.memory_space<vmem>> -> memref<128xi32, #tpu.memory_space<vmem>>
    %dma_start3A_7 = arith.constant 0 : i32
    %dma_start3A_8 = tpu.memref_slice %arg3[%add3A, %dma_start3A, %dma_start3A_7] : memref<32x79x128xi32, #tpu.memory_space<hbm>> -> memref<1x1x128xi32, #tpu.memory_space<hbm>>
    %dma_start3A_9 = tpu.memref_squeeze %dma_start3A_8 : memref<1x1x128xi32, #tpu.memory_space<hbm>> -> memref<128xi32, #tpu.memory_space<hbm>>
    %dma_start3A_10 = arith.constant 0 : i32
    %dma_start3A_11 = tpu.memref_slice %arg7[%dma_start3A_3, %dma_start3A_10] : memref<2x128xi32, #tpu.memory_space<vmem>> -> memref<1x128xi32, #tpu.memory_space<vmem>>
    %dma_start3A_12 = tpu.memref_squeeze %dma_start3A_11 : memref<1x128xi32, #tpu.memory_space<vmem>> -> memref<128xi32, #tpu.memory_space<vmem>>
    %dma_start3A_13 = arith.constant 0 : i32
    %dma_start3A_14 = tpu.memref_slice %arg3[%add3A, %dma_start3A, %dma_start3A_13] : memref<32x79x128xi32, #tpu.memory_space<hbm>> -> memref<1x1x128xi32, #tpu.memory_space<hbm>>
    %dma_start3A_15 = tpu.memref_squeeze %dma_start3A_14 : memref<1x1x128xi32, #tpu.memory_space<hbm>> -> memref<128xi32, #tpu.memory_space<hbm>>
    tpu.enqueue_dma source(%dma_start3A_15 : memref<128xi32, #tpu.memory_space<hbm>>) target(%dma_start3A_12 : memref<128xi32, #tpu.memory_space<vmem>>) target_semaphore(%arg13 : memref<!tpu.dma_semaphore, #tpu.memory_space<semaphore_mem>>)
    %dma_wait3A = arith.constant 0 : i32
    %dma_wait3A_16 = arith.constant 0 : i32
    %dma_wait3A_17 = arith.constant 0 : i32
    %dma_wait3A_18 = tpu.memref_slice %arg7[%dma_wait3A_16, %dma_wait3A_17] : memref<2x128xi32, #tpu.memory_space<vmem>> -> memref<1x128xi32, #tpu.memory_space<vmem>>
    %dma_wait3A_19 = tpu.memref_squeeze %dma_wait3A_18 : memref<1x128xi32, #tpu.memory_space<vmem>> -> memref<128xi32, #tpu.memory_space<vmem>>
    %dma_wait3A_20 = arith.constant 0 : i32
    %dma_wait3A_21 = tpu.memref_slice %arg3[%add3A, %dma_wait3A, %dma_wait3A_20] : memref<32x79x128xi32, #tpu.memory_space<hbm>> -> memref<1x1x128xi32, #tpu.memory_space<hbm>>
    %dma_wait3A_22 = tpu.memref_squeeze %dma_wait3A_21 : memref<1x1x128xi32, #tpu.memory_space<hbm>> -> memref<128xi32, #tpu.memory_space<hbm>>
    %dma_wait3A_23 = arith.constant 0 : i32
    %dma_wait3A_24 = tpu.memref_slice %arg7[%dma_wait3A_16, %dma_wait3A_23] : memref<2x128xi32, #tpu.memory_space<vmem>> -> memref<1x128xi32, #tpu.memory_space<vmem>>
    %dma_wait3A_25 = tpu.memref_squeeze %dma_wait3A_24 : memref<1x128xi32, #tpu.memory_space<vmem>> -> memref<128xi32, #tpu.memory_space<vmem>>
    %dma_wait3A_26 = arith.constant 0 : i32
    %dma_wait3A_27 = tpu.memref_slice %arg3[%add3A, %dma_wait3A, %dma_wait3A_26] : memref<32x79x128xi32, #tpu.memory_space<hbm>> -> memref<1x1x128xi32, #tpu.memory_space<hbm>>
    %dma_wait3A_28 = tpu.memref_squeeze %dma_wait3A_27 : memref<1x1x128xi32, #tpu.memory_space<hbm>> -> memref<128xi32, #tpu.memory_space<hbm>>
    tpu.wait_dma2 semaphore(%arg13 : memref<!tpu.dma_semaphore, #tpu.memory_space<semaphore_mem>>) src(%dma_wait3A_28 : memref<128xi32, #tpu.memory_space<hbm>>) dst(%dma_wait3A_25 : memref<128xi32, #tpu.memory_space<vmem>>)
    %dma_start3A_29 = arith.constant 0 : i32
    %dma_start3A_30 = arith.constant 0 : i32
    %dma_start3A_31 = arith.constant 0 : i32
    %dma_start3A_32 = arith.constant 0 : i32
    %dma_start3A_33 = tpu.memref_slice %arg9[%dma_start3A_30, %dma_start3A_31, %dma_start3A_32] : memref<2x128x128xf32, #tpu.memory_space<vmem>> -> memref<1x128x128xf32, #tpu.memory_space<vmem>>
    %dma_start3A_34 = tpu.memref_squeeze %dma_start3A_33 : memref<1x128x128xf32, #tpu.memory_space<vmem>> -> memref<128x128xf32, #tpu.memory_space<vmem>>
    %dma_start3A_35 = arith.constant 0 : i32
    %dma_start3A_36 = tpu.memref_slice %arg7[%dma_start3A_29, %dma_start3A_35] : memref<2x128xi32, #tpu.memory_space<vmem>> -> memref<1x128xi32, #tpu.memory_space<vmem>>
    %dma_start3A_37 = tpu.memref_squeeze %dma_start3A_36 : memref<1x128xi32, #tpu.memory_space<vmem>> -> memref<128xi32, #tpu.memory_space<vmem>>
    %dma_start3A_38 = arith.constant 0 : i32
    %dma_start3A_39 = arith.constant 0 : i32
    %dma_start3A_40 = tpu.memref_slice %arg2[%dma_start3A_38, %dma_start3A_39] : memref<10240x128xf32, #tpu.memory_space<hbm>> -> memref<10240x128xf32, #tpu.memory_space<hbm>>
    tpu.enqueue_indirect_dma source(%dma_start3A_40 : memref<10240x128xf32, #tpu.memory_space<hbm>>) target(%dma_start3A_34 : memref<128x128xf32, #tpu.memory_space<vmem>>) offsets(%dma_start3A_37 : memref<128xi32, #tpu.memory_space<vmem>>) semaphore(%arg11 : memref<!tpu.dma_semaphore, #tpu.memory_space<semaphore_mem>>)
    %scan3A = arith.constant 0 : i32
    %scan3A_41 = arith.constant 0 : i32
    %scan3A_42 = arith.constant 79 : i32
    %scan3A_43 = arith.addi %scan3A_41, %scan3A_42 : i32
    %scan3A_44 = arith.constant 1 : i32
    scf.for %scan3A_65 = %scan3A_41 to %scan3A_43 step %scan3A_44  : i32 {
      %rem3A_66 = arith.constant 2 : i32
      %rem3A_67 = arith.remsi %scan3A_65, %rem3A_66 : i32
      %add3A_68 = arith.constant 1 : i32
      %add3A_69 = arith.addi %scan3A_65, %add3A_68 : i32
      %rem3A_70 = arith.constant 2 : i32
      %rem3A_71 = arith.remsi %add3A_69, %rem3A_70 : i32
      %add3A_72 = arith.constant 1 : i32
      %add3A_73 = arith.addi %scan3A_65, %add3A_72 : i32
      %lt3A = arith.constant 79 : i32
      %lt3A_74 = arith.cmpi slt, %add3A_73, %lt3A : i32
      %convert_element_type3A_75 = arith.extui %lt3A_74 : i1 to i32
      %cond3A_76 = arith.constant 0 : i32
      %cond3A_77 = arith.cmpi ne, %convert_element_type3A_75, %cond3A_76 : i32
      scf.if %cond3A_77 {
        %add3A_109 = arith.constant 1 : i32
        %add3A_110 = arith.addi %scan3A_65, %add3A_109 : i32
        %dma_start3A_111 = arith.constant 0 : i32
        %dma_start3A_112 = tpu.memref_slice %arg7[%rem3A_71, %dma_start3A_111] : memref<2x128xi32, #tpu.memory_space<vmem>> -> memref<1x128xi32, #tpu.memory_space<vmem>>
        %dma_start3A_113 = tpu.memref_squeeze %dma_start3A_112 : memref<1x128xi32, #tpu.memory_space<vmem>> -> memref<128xi32, #tpu.memory_space<vmem>>
        %dma_start3A_114 = arith.constant 0 : i32
        %dma_start3A_115 = tpu.memref_slice %arg3[%add3A, %add3A_110, %dma_start3A_114] : memref<32x79x128xi32, #tpu.memory_space<hbm>> -> memref<1x1x128xi32, #tpu.memory_space<hbm>>
        %dma_start3A_116 = tpu.memref_squeeze %dma_start3A_115 : memref<1x1x128xi32, #tpu.memory_space<hbm>> -> memref<128xi32, #tpu.memory_space<hbm>>
        %dma_start3A_117 = arith.constant 0 : i32
        %dma_start3A_118 = tpu.memref_slice %arg7[%rem3A_71, %dma_start3A_117] : memref<2x128xi32, #tpu.memory_space<vmem>> -> memref<1x128xi32, #tpu.memory_space<vmem>>
        %dma_start3A_119 = tpu.memref_squeeze %dma_start3A_118 : memref<1x128xi32, #tpu.memory_space<vmem>> -> memref<128xi32, #tpu.memory_space<vmem>>
        %dma_start3A_120 = arith.constant 0 : i32
        %dma_start3A_121 = tpu.memref_slice %arg3[%add3A, %add3A_110, %dma_start3A_120] : memref<32x79x128xi32, #tpu.memory_space<hbm>> -> memref<1x1x128xi32, #tpu.memory_space<hbm>>
        %dma_start3A_122 = tpu.memref_squeeze %dma_start3A_121 : memref<1x1x128xi32, #tpu.memory_space<hbm>> -> memref<128xi32, #tpu.memory_space<hbm>>
        tpu.enqueue_dma source(%dma_start3A_122 : memref<128xi32, #tpu.memory_space<hbm>>) target(%dma_start3A_119 : memref<128xi32, #tpu.memory_space<vmem>>) target_semaphore(%arg13 : memref<!tpu.dma_semaphore, #tpu.memory_space<semaphore_mem>>)
      } else {
      }
      %dma_wait3A_78 = arith.constant 0 : i32
      %dma_wait3A_79 = arith.constant 0 : i32
      %dma_wait3A_80 = tpu.memref_slice %arg9[%rem3A_67, %dma_wait3A_78, %dma_wait3A_79] : memref<2x128x128xf32, #tpu.memory_space<vmem>> -> memref<1x128x128xf32, #tpu.memory_space<vmem>>
      %dma_wait3A_81 = tpu.memref_squeeze %dma_wait3A_80 : memref<1x128x128xf32, #tpu.memory_space<vmem>> -> memref<128x128xf32, #tpu.memory_space<vmem>>
      %dma_wait3A_82 = arith.constant 0 : i32
      %dma_wait3A_83 = tpu.memref_slice %arg7[%rem3A_67, %dma_wait3A_82] : memref<2x128xi32, #tpu.memory_space<vmem>> -> memref<1x128xi32, #tpu.memory_space<vmem>>
      %dma_wait3A_84 = tpu.memref_squeeze %dma_wait3A_83 : memref<1x128xi32, #tpu.memory_space<vmem>> -> memref<128xi32, #tpu.memory_space<vmem>>
      %dma_wait3A_85 = arith.constant 0 : i32
      %dma_wait3A_86 = arith.constant 0 : i32
      %dma_wait3A_87 = tpu.memref_slice %arg2[%dma_wait3A_85, %dma_wait3A_86] : memref<10240x128xf32, #tpu.memory_space<hbm>> -> memref<10240x128xf32, #tpu.memory_space<hbm>>
      tpu.wait_indirect_dma semaphore(%arg11 : memref<!tpu.dma_semaphore, #tpu.memory_space<semaphore_mem>>) src(%dma_wait3A_87 : memref<10240x128xf32, #tpu.memory_space<hbm>>) dst(%dma_wait3A_81 : memref<128x128xf32, #tpu.memory_space<vmem>>)
      %ge3A = arith.constant 1 : i32
      %ge3A_88 = arith.cmpi sge, %scan3A_65, %ge3A : i32
      %convert_element_type3A_89 = arith.extui %ge3A_88 : i1 to i32
      %cond3A_90 = arith.constant 0 : i32
      %cond3A_91 = arith.cmpi ne, %convert_element_type3A_89, %cond3A_90 : i32
      scf.if %cond3A_91 {
        %sub3A = arith.constant 1 : i32
        %sub3A_109 = arith.subi %scan3A_65, %sub3A : i32
        %dma_wait3A_110 = arith.constant 0 : i32
        %dma_wait3A_111 = arith.constant 0 : i32
        %dma_wait3A_112 = tpu.memref_slice %arg9[%rem3A_71, %dma_wait3A_110, %dma_wait3A_111] : memref<2x128x128xf32, #tpu.memory_space<vmem>> -> memref<1x128x128xf32, #tpu.memory_space<vmem>>
        %dma_wait3A_113 = tpu.memref_squeeze %dma_wait3A_112 : memref<1x128x128xf32, #tpu.memory_space<vmem>> -> memref<128x128xf32, #tpu.memory_space<vmem>>
        %dma_wait3A_114 = arith.constant 0 : i32
        %dma_wait3A_115 = tpu.memref_slice %arg8[%sub3A_109, %dma_wait3A_114] : memref<79x128xi32, #tpu.memory_space<vmem>> -> memref<1x128xi32, #tpu.memory_space<vmem>>
        %dma_wait3A_116 = tpu.memref_squeeze %dma_wait3A_115 : memref<1x128xi32, #tpu.memory_space<vmem>> -> memref<128xi32, #tpu.memory_space<vmem>>
        %dma_wait3A_117 = arith.constant 0 : i32
        %dma_wait3A_118 = arith.constant 0 : i32
        %dma_wait3A_119 = tpu.memref_slice %arg10[%dma_wait3A_117, %dma_wait3A_118] : memref<10240x128xf32, #tpu.memory_space<vmem_shared>> -> memref<10240x128xf32, #tpu.memory_space<vmem_shared>>
        tpu.wait_indirect_dma semaphore(%arg12 : memref<!tpu.dma_semaphore, #tpu.memory_space<semaphore_mem>>) src(%dma_wait3A_113 : memref<128x128xf32, #tpu.memory_space<vmem>>) dst(%dma_wait3A_119 : memref<10240x128xf32, #tpu.memory_space<vmem_shared>>)
      } else {
      }
      %add3A_92 = arith.constant 1 : i32
      %add3A_93 = arith.addi %scan3A_65, %add3A_92 : i32
      %lt3A_94 = arith.constant 79 : i32
      %lt3A_95 = arith.cmpi slt, %add3A_93, %lt3A_94 : i32
      %convert_element_type3A_96 = arith.extui %lt3A_95 : i1 to i32
      %cond3A_97 = arith.constant 0 : i32
      %cond3A_98 = arith.cmpi ne, %convert_element_type3A_96, %cond3A_97 : i32
      scf.if %cond3A_98 {
        %add3A_109 = arith.constant 1 : i32
        %add3A_110 = arith.addi %scan3A_65, %add3A_109 : i32
        %dma_wait3A_111 = arith.constant 0 : i32
        %dma_wait3A_112 = tpu.memref_slice %arg7[%rem3A_71, %dma_wait3A_111] : memref<2x128xi32, #tpu.memory_space<vmem>> -> memref<1x128xi32, #tpu.memory_space<vmem>>
        %dma_wait3A_113 = tpu.memref_squeeze %dma_wait3A_112 : memref<1x128xi32, #tpu.memory_space<vmem>> -> memref<128xi32, #tpu.memory_space<vmem>>
        %dma_wait3A_114 = arith.constant 0 : i32
        %dma_wait3A_115 = tpu.memref_slice %arg3[%add3A, %add3A_110, %dma_wait3A_114] : memref<32x79x128xi32, #tpu.memory_space<hbm>> -> memref<1x1x128xi32, #tpu.memory_space<hbm>>
        %dma_wait3A_116 = tpu.memref_squeeze %dma_wait3A_115 : memref<1x1x128xi32, #tpu.memory_space<hbm>> -> memref<128xi32, #tpu.memory_space<hbm>>
        %dma_wait3A_117 = arith.constant 0 : i32
        %dma_wait3A_118 = tpu.memref_slice %arg7[%rem3A_71, %dma_wait3A_117] : memref<2x128xi32, #tpu.memory_space<vmem>> -> memref<1x128xi32, #tpu.memory_space<vmem>>
        %dma_wait3A_119 = tpu.memref_squeeze %dma_wait3A_118 : memref<1x128xi32, #tpu.memory_space<vmem>> -> memref<128xi32, #tpu.memory_space<vmem>>
        %dma_wait3A_120 = arith.constant 0 : i32
        %dma_wait3A_121 = tpu.memref_slice %arg3[%add3A, %add3A_110, %dma_wait3A_120] : memref<32x79x128xi32, #tpu.memory_space<hbm>> -> memref<1x1x128xi32, #tpu.memory_space<hbm>>
        %dma_wait3A_122 = tpu.memref_squeeze %dma_wait3A_121 : memref<1x1x128xi32, #tpu.memory_space<hbm>> -> memref<128xi32, #tpu.memory_space<hbm>>
        tpu.wait_dma2 semaphore(%arg13 : memref<!tpu.dma_semaphore, #tpu.memory_space<semaphore_mem>>) src(%dma_wait3A_122 : memref<128xi32, #tpu.memory_space<hbm>>) dst(%dma_wait3A_119 : memref<128xi32, #tpu.memory_space<vmem>>)
        %dma_start3A_123 = arith.constant 0 : i32
        %dma_start3A_124 = arith.constant 0 : i32
        %dma_start3A_125 = tpu.memref_slice %arg9[%rem3A_71, %dma_start3A_123, %dma_start3A_124] : memref<2x128x128xf32, #tpu.memory_space<vmem>> -> memref<1x128x128xf32, #tpu.memory_space<vmem>>
        %dma_start3A_126 = tpu.memref_squeeze %dma_start3A_125 : memref<1x128x128xf32, #tpu.memory_space<vmem>> -> memref<128x128xf32, #tpu.memory_space<vmem>>
        %dma_start3A_127 = arith.constant 0 : i32
        %dma_start3A_128 = tpu.memref_slice %arg7[%rem3A_71, %dma_start3A_127] : memref<2x128xi32, #tpu.memory_space<vmem>> -> memref<1x128xi32, #tpu.memory_space<vmem>>
        %dma_start3A_129 = tpu.memref_squeeze %dma_start3A_128 : memref<1x128xi32, #tpu.memory_space<vmem>> -> memref<128xi32, #tpu.memory_space<vmem>>
        %dma_start3A_130 = arith.constant 0 : i32
        %dma_start3A_131 = arith.constant 0 : i32
        %dma_start3A_132 = tpu.memref_slice %arg2[%dma_start3A_130, %dma_start3A_131] : memref<10240x128xf32, #tpu.memory_space<hbm>> -> memref<10240x128xf32, #tpu.memory_space<hbm>>
        tpu.enqueue_indirect_dma source(%dma_start3A_132 : memref<10240x128xf32, #tpu.memory_space<hbm>>) target(%dma_start3A_126 : memref<128x128xf32, #tpu.memory_space<vmem>>) offsets(%dma_start3A_129 : memref<128xi32, #tpu.memory_space<vmem>>) semaphore(%arg11 : memref<!tpu.dma_semaphore, #tpu.memory_space<semaphore_mem>>)
      } else {
      }
      %dma_start3A_99 = arith.constant 0 : i32
      %dma_start3A_100 = arith.constant 0 : i32
      %dma_start3A_101 = tpu.memref_slice %arg9[%rem3A_67, %dma_start3A_99, %dma_start3A_100] : memref<2x128x128xf32, #tpu.memory_space<vmem>> -> memref<1x128x128xf32, #tpu.memory_space<vmem>>
      %dma_start3A_102 = tpu.memref_squeeze %dma_start3A_101 : memref<1x128x128xf32, #tpu.memory_space<vmem>> -> memref<128x128xf32, #tpu.memory_space<vmem>>
      %dma_start3A_103 = arith.constant 0 : i32
      %dma_start3A_104 = tpu.memref_slice %arg8[%scan3A_65, %dma_start3A_103] : memref<79x128xi32, #tpu.memory_space<vmem>> -> memref<1x128xi32, #tpu.memory_space<vmem>>
      %dma_start3A_105 = tpu.memref_squeeze %dma_start3A_104 : memref<1x128xi32, #tpu.memory_space<vmem>> -> memref<128xi32, #tpu.memory_space<vmem>>
      %dma_start3A_106 = arith.constant 0 : i32
      %dma_start3A_107 = arith.constant 0 : i32
      %dma_start3A_108 = tpu.memref_slice %arg10[%dma_start3A_106, %dma_start3A_107] : memref<10240x128xf32, #tpu.memory_space<vmem_shared>> -> memref<10240x128xf32, #tpu.memory_space<vmem_shared>>
      tpu.enqueue_indirect_dma source(%dma_start3A_102 : memref<128x128xf32, #tpu.memory_space<vmem>>) target(%dma_start3A_108 : memref<10240x128xf32, #tpu.memory_space<vmem_shared>>) offsets(%dma_start3A_105 : memref<128xi32, #tpu.memory_space<vmem>>) semaphore(%arg12 : memref<!tpu.dma_semaphore, #tpu.memory_space<semaphore_mem>>) {add = true}
    }
    %scan3A_45 = arith.constant 79 : i32
    %rem3A = arith.constant 78 : i32
    %rem3A_46 = arith.constant 2 : i32
    %rem3A_47 = arith.remsi %rem3A, %rem3A_46 : i32
    %dma_wait3A_48 = arith.constant 78 : i32
    %dma_wait3A_49 = arith.constant 0 : i32
    %dma_wait3A_50 = arith.constant 0 : i32
    %dma_wait3A_51 = tpu.memref_slice %arg9[%rem3A_47, %dma_wait3A_49, %dma_wait3A_50] : memref<2x128x128xf32, #tpu.memory_space<vmem>> -> memref<1x128x128xf32, #tpu.memory_space<vmem>>
    %dma_wait3A_52 = tpu.memref_squeeze %dma_wait3A_51 : memref<1x128x128xf32, #tpu.memory_space<vmem>> -> memref<128x128xf32, #tpu.memory_space<vmem>>
    %dma_wait3A_53 = arith.constant 0 : i32
    %dma_wait3A_54 = tpu.memref_slice %arg8[%dma_wait3A_48, %dma_wait3A_53] : memref<79x128xi32, #tpu.memory_space<vmem>> -> memref<1x128xi32, #tpu.memory_space<vmem>>
    %dma_wait3A_55 = tpu.memref_squeeze %dma_wait3A_54 : memref<1x128xi32, #tpu.memory_space<vmem>> -> memref<128xi32, #tpu.memory_space<vmem>>
    %dma_wait3A_56 = arith.constant 0 : i32
    %dma_wait3A_57 = arith.constant 0 : i32
    %dma_wait3A_58 = tpu.memref_slice %arg10[%dma_wait3A_56, %dma_wait3A_57] : memref<10240x128xf32, #tpu.memory_space<vmem_shared>> -> memref<10240x128xf32, #tpu.memory_space<vmem_shared>>
    tpu.wait_indirect_dma semaphore(%arg12 : memref<!tpu.dma_semaphore, #tpu.memory_space<semaphore_mem>>) src(%dma_wait3A_52 : memref<128x128xf32, #tpu.memory_space<vmem>>) dst(%dma_wait3A_58 : memref<10240x128xf32, #tpu.memory_space<vmem_shared>>)
    %barrier3A_59 = arith.constant 0 : index
    tpu.barrier barrier_id(%barrier3A_59)
    %eq3A_60 = arith.constant 0 : i32
    %eq3A_61 = arith.cmpi eq, %arg1, %eq3A_60 : i32
    %convert_element_type3A_62 = arith.extui %eq3A_61 : i1 to i32
    %cond3A_63 = arith.constant 0 : i32
    %cond3A_64 = arith.cmpi ne, %convert_element_type3A_62, %cond3A_63 : i32
    scf.if %cond3A_64 {
      "tpu.region"() ({
        %run_scoped3A = tpu.sem_alloc : memref<!tpu.dma_semaphore, #tpu.memory_space<semaphore_mem>>
        %dma_start3A_65 = arith.constant 0 : i32
        %dma_start3A_66 = arith.constant 0 : i32
        %dma_start3A_67 = tpu.memref_slice %arg6[%arg0, %dma_start3A_65, %dma_start3A_66] : memref<2x10240x128xf32, #tpu.memory_space<hbm>> -> memref<1x10240x128xf32, #tpu.memory_space<hbm>>
        %dma_start3A_68 = tpu.memref_squeeze %dma_start3A_67 : memref<1x10240x128xf32, #tpu.memory_space<hbm>> -> memref<10240x128xf32, #tpu.memory_space<hbm>>
        tpu.enqueue_dma source(%arg10 : memref<10240x128xf32, #tpu.memory_space<vmem_shared>>) target(%dma_start3A_68 : memref<10240x128xf32, #tpu.memory_space<hbm>>) target_semaphore(%run_scoped3A : memref<!tpu.dma_semaphore, #tpu.memory_space<semaphore_mem>>)
        %dma_wait3A_69 = arith.constant 0 : i32
        %dma_wait3A_70 = arith.constant 0 : i32
        %dma_wait3A_71 = tpu.memref_slice %arg6[%arg0, %dma_wait3A_69, %dma_wait3A_70] : memref<2x10240x128xf32, #tpu.memory_space<hbm>> -> memref<1x10240x128xf32, #tpu.memory_space<hbm>>
        %dma_wait3A_72 = tpu.memref_squeeze %dma_wait3A_71 : memref<1x10240x128xf32, #tpu.memory_space<hbm>> -> memref<10240x128xf32, #tpu.memory_space<hbm>>
        tpu.wait_dma2 semaphore(%run_scoped3A : memref<!tpu.dma_semaphore, #tpu.memory_space<semaphore_mem>>) src(%arg10 : memref<10240x128xf32, #tpu.memory_space<vmem_shared>>) dst(%dma_wait3A_72 : memref<10240x128xf32, #tpu.memory_space<hbm>>)
        tpu.yield
      }) : () -> ()
    } else {
    }
    return
  }
}

#map = affine_map<(d0, d1) -> (0, 0, 0)>
#map1 = affine_map<(d0, d1) -> (0, 0)>
module attributes {stable_mosaic.version = 14 : i64} {
  func.func @deg_kernel(%arg0: i32, %arg1: i32, %arg2: memref<32x79x128xi32, #tpu.memory_space<hbm>>, %arg3: memref<10240x128xf32, #tpu.memory_space<hbm>>, %arg4: memref<2x10240x128xf32, #tpu.memory_space<hbm>>, %arg5: memref<79x128xi32, #tpu.memory_space<vmem>>, %arg6: memref<128x128xf32, #tpu.memory_space<vmem>>, %arg7: memref<10240x128xf32, #tpu.memory_space<vmem_shared>>, %arg8: memref<!tpu.dma_semaphore, #tpu.memory_space<semaphore_mem>>) attributes {dimension_semantics = [#tpu.dimension_semantics<core_parallel>, #tpu.dimension_semantics<subcore_parallel>], iteration_bounds = array<i64: 2, 16>, scalar_prefetch = 0 : i64, scratch_operands = 4 : i64, tpu.core_type = #tpu.core_type<sc_vector_subcore>, window_params = [{transform_indices = #map}, {transform_indices = #map1}, {transform_indices = #map}]} {
    %mul3A = arith.constant 16 : i32
    %mul3A_0 = arith.muli %arg0, %mul3A : i32
    %add3A = arith.addi %mul3A_0, %arg1 : i32
    %broadcast_in_dim3A = arith.constant 1.000000e+00 : f32
    %broadcast_in_dim3A_1 = vector.broadcast %broadcast_in_dim3A : f32 to vector<16xf32>
    %scan3A = arith.constant 0 : i32
    %scan3A_2 = arith.constant 0 : i32
    %scan3A_3 = arith.constant 128 : i32
    %scan3A_4 = arith.addi %scan3A_2, %scan3A_3 : i32
    %scan3A_5 = arith.constant 1 : i32
    scf.for %scan3A_33 = %scan3A_2 to %scan3A_4 step %scan3A_5  : i32 {
      %swap3A = arith.index_cast %scan3A_33 : i32 to index
      %swap3A_34 = arith.constant 0 : index
      %swap3A_35 = tpu.vector_load %arg6[%swap3A, %swap3A_34] {strides = array<i32>} : memref<128x128xf32, #tpu.memory_space<vmem>>, vector<1x16xf32>,
      %swap3A_36 = vector.shape_cast %swap3A_35 : vector<1x16xf32> to vector<16xf32>
      %swap3A_37 = vector.shape_cast %broadcast_in_dim3A_1 : vector<16xf32> to vector<1x16xf32>
      tpu.vector_store %arg6[%swap3A, %swap3A_34], %swap3A_37 {strides = array<i32>} : memref<128x128xf32, #tpu.memory_space<vmem>>, vector<1x16xf32>,
      %swap3A_38 = arith.index_cast %scan3A_33 : i32 to index
      %swap3A_39 = arith.constant 16 : index
      %swap3A_40 = tpu.vector_load %arg6[%swap3A_38, %swap3A_39] {strides = array<i32>} : memref<128x128xf32, #tpu.memory_space<vmem>>, vector<1x16xf32>,
      %swap3A_41 = vector.shape_cast %swap3A_40 : vector<1x16xf32> to vector<16xf32>
      %swap3A_42 = vector.shape_cast %broadcast_in_dim3A_1 : vector<16xf32> to vector<1x16xf32>
      tpu.vector_store %arg6[%swap3A_38, %swap3A_39], %swap3A_42 {strides = array<i32>} : memref<128x128xf32, #tpu.memory_space<vmem>>, vector<1x16xf32>,
      %swap3A_43 = arith.index_cast %scan3A_33 : i32 to index
      %swap3A_44 = arith.constant 32 : index
      %swap3A_45 = tpu.vector_load %arg6[%swap3A_43, %swap3A_44] {strides = array<i32>} : memref<128x128xf32, #tpu.memory_space<vmem>>, vector<1x16xf32>,
      %swap3A_46 = vector.shape_cast %swap3A_45 : vector<1x16xf32> to vector<16xf32>
      %swap3A_47 = vector.shape_cast %broadcast_in_dim3A_1 : vector<16xf32> to vector<1x16xf32>
      tpu.vector_store %arg6[%swap3A_43, %swap3A_44], %swap3A_47 {strides = array<i32>} : memref<128x128xf32, #tpu.memory_space<vmem>>, vector<1x16xf32>,
      %swap3A_48 = arith.index_cast %scan3A_33 : i32 to index
      %swap3A_49 = arith.constant 48 : index
      %swap3A_50 = tpu.vector_load %arg6[%swap3A_48, %swap3A_49] {strides = array<i32>} : memref<128x128xf32, #tpu.memory_space<vmem>>, vector<1x16xf32>,
      %swap3A_51 = vector.shape_cast %swap3A_50 : vector<1x16xf32> to vector<16xf32>
      %swap3A_52 = vector.shape_cast %broadcast_in_dim3A_1 : vector<16xf32> to vector<1x16xf32>
      tpu.vector_store %arg6[%swap3A_48, %swap3A_49], %swap3A_52 {strides = array<i32>} : memref<128x128xf32, #tpu.memory_space<vmem>>, vector<1x16xf32>,
      %swap3A_53 = arith.index_cast %scan3A_33 : i32 to index
      %swap3A_54 = arith.constant 64 : index
      %swap3A_55 = tpu.vector_load %arg6[%swap3A_53, %swap3A_54] {strides = array<i32>} : memref<128x128xf32, #tpu.memory_space<vmem>>, vector<1x16xf32>,
      %swap3A_56 = vector.shape_cast %swap3A_55 : vector<1x16xf32> to vector<16xf32>
      %swap3A_57 = vector.shape_cast %broadcast_in_dim3A_1 : vector<16xf32> to vector<1x16xf32>
      tpu.vector_store %arg6[%swap3A_53, %swap3A_54], %swap3A_57 {strides = array<i32>} : memref<128x128xf32, #tpu.memory_space<vmem>>, vector<1x16xf32>,
      %swap3A_58 = arith.index_cast %scan3A_33 : i32 to index
      %swap3A_59 = arith.constant 80 : index
      %swap3A_60 = tpu.vector_load %arg6[%swap3A_58, %swap3A_59] {strides = array<i32>} : memref<128x128xf32, #tpu.memory_space<vmem>>, vector<1x16xf32>,
      %swap3A_61 = vector.shape_cast %swap3A_60 : vector<1x16xf32> to vector<16xf32>
      %swap3A_62 = vector.shape_cast %broadcast_in_dim3A_1 : vector<16xf32> to vector<1x16xf32>
      tpu.vector_store %arg6[%swap3A_58, %swap3A_59], %swap3A_62 {strides = array<i32>} : memref<128x128xf32, #tpu.memory_space<vmem>>, vector<1x16xf32>,
      %swap3A_63 = arith.index_cast %scan3A_33 : i32 to index
      %swap3A_64 = arith.constant 96 : index
      %swap3A_65 = tpu.vector_load %arg6[%swap3A_63, %swap3A_64] {strides = array<i32>} : memref<128x128xf32, #tpu.memory_space<vmem>>, vector<1x16xf32>,
      %swap3A_66 = vector.shape_cast %swap3A_65 : vector<1x16xf32> to vector<16xf32>
      %swap3A_67 = vector.shape_cast %broadcast_in_dim3A_1 : vector<16xf32> to vector<1x16xf32>
      tpu.vector_store %arg6[%swap3A_63, %swap3A_64], %swap3A_67 {strides = array<i32>} : memref<128x128xf32, #tpu.memory_space<vmem>>, vector<1x16xf32>,
      %swap3A_68 = arith.index_cast %scan3A_33 : i32 to index
      %swap3A_69 = arith.constant 112 : index
      %swap3A_70 = tpu.vector_load %arg6[%swap3A_68, %swap3A_69] {strides = array<i32>} : memref<128x128xf32, #tpu.memory_space<vmem>>, vector<1x16xf32>,
      %swap3A_71 = vector.shape_cast %swap3A_70 : vector<1x16xf32> to vector<16xf32>
      %swap3A_72 = vector.shape_cast %broadcast_in_dim3A_1 : vector<16xf32> to vector<1x16xf32>
      tpu.vector_store %arg6[%swap3A_68, %swap3A_69], %swap3A_72 {strides = array<i32>} : memref<128x128xf32, #tpu.memory_space<vmem>>, vector<1x16xf32>,
    }
    %scan3A_6 = arith.constant 128 : i32
    "tpu.region"() ({
      %run_scoped3A = tpu.sem_alloc : memref<!tpu.dma_semaphore, #tpu.memory_space<semaphore_mem>>
      %dma_start3A_33 = arith.constant 0 : i32
      %dma_start3A_34 = arith.constant 0 : i32
      %dma_start3A_35 = tpu.memref_slice %arg2[%add3A, %dma_start3A_33, %dma_start3A_34] : memref<32x79x128xi32, #tpu.memory_space<hbm>> -> memref<1x79x128xi32, #tpu.memory_space<hbm>>
      %dma_start3A_36 = tpu.memref_squeeze %dma_start3A_35 : memref<1x79x128xi32, #tpu.memory_space<hbm>> -> memref<79x128xi32, #tpu.memory_space<hbm>>
      %dma_start3A_37 = arith.constant 0 : i32
      %dma_start3A_38 = arith.constant 0 : i32
      %dma_start3A_39 = tpu.memref_slice %arg2[%add3A, %dma_start3A_37, %dma_start3A_38] : memref<32x79x128xi32, #tpu.memory_space<hbm>> -> memref<1x79x128xi32, #tpu.memory_space<hbm>>
      %dma_start3A_40 = tpu.memref_squeeze %dma_start3A_39 : memref<1x79x128xi32, #tpu.memory_space<hbm>> -> memref<79x128xi32, #tpu.memory_space<hbm>>
      tpu.enqueue_dma source(%dma_start3A_40 : memref<79x128xi32, #tpu.memory_space<hbm>>) target(%arg5 : memref<79x128xi32, #tpu.memory_space<vmem>>) target_semaphore(%run_scoped3A : memref<!tpu.dma_semaphore, #tpu.memory_space<semaphore_mem>>)
      %dma_wait3A_41 = arith.constant 0 : i32
      %dma_wait3A_42 = arith.constant 0 : i32
      %dma_wait3A_43 = tpu.memref_slice %arg2[%add3A, %dma_wait3A_41, %dma_wait3A_42] : memref<32x79x128xi32, #tpu.memory_space<hbm>> -> memref<1x79x128xi32, #tpu.memory_space<hbm>>
      %dma_wait3A_44 = tpu.memref_squeeze %dma_wait3A_43 : memref<1x79x128xi32, #tpu.memory_space<hbm>> -> memref<79x128xi32, #tpu.memory_space<hbm>>
      %dma_wait3A_45 = arith.constant 0 : i32
      %dma_wait3A_46 = arith.constant 0 : i32
      %dma_wait3A_47 = tpu.memref_slice %arg2[%add3A, %dma_wait3A_45, %dma_wait3A_46] : memref<32x79x128xi32, #tpu.memory_space<hbm>> -> memref<1x79x128xi32, #tpu.memory_space<hbm>>
      %dma_wait3A_48 = tpu.memref_squeeze %dma_wait3A_47 : memref<1x79x128xi32, #tpu.memory_space<hbm>> -> memref<79x128xi32, #tpu.memory_space<hbm>>
      tpu.wait_dma2 semaphore(%run_scoped3A : memref<!tpu.dma_semaphore, #tpu.memory_space<semaphore_mem>>) src(%dma_wait3A_48 : memref<79x128xi32, #tpu.memory_space<hbm>>) dst(%arg5 : memref<79x128xi32, #tpu.memory_space<vmem>>)
      tpu.yield
    }) : () -> ()
    %eq3A = arith.constant 0 : i32
    %eq3A_7 = arith.cmpi eq, %arg1, %eq3A : i32
    %convert_element_type3A = arith.extui %eq3A_7 : i1 to i32
    %cond3A = arith.constant 0 : i32
    %cond3A_8 = arith.cmpi ne, %convert_element_type3A, %cond3A : i32
    scf.if %cond3A_8 {
      "tpu.region"() ({
        %run_scoped3A = tpu.sem_alloc : memref<!tpu.dma_semaphore, #tpu.memory_space<semaphore_mem>>
        tpu.enqueue_dma source(%arg3 : memref<10240x128xf32, #tpu.memory_space<hbm>>) target(%arg7 : memref<10240x128xf32, #tpu.memory_space<vmem_shared>>) target_semaphore(%run_scoped3A : memref<!tpu.dma_semaphore, #tpu.memory_space<semaphore_mem>>)
        tpu.wait_dma2 semaphore(%run_scoped3A : memref<!tpu.dma_semaphore, #tpu.memory_space<semaphore_mem>>) src(%arg3 : memref<10240x128xf32, #tpu.memory_space<hbm>>) dst(%arg7 : memref<10240x128xf32, #tpu.memory_space<vmem_shared>>)
        tpu.yield
      }) : () -> ()
    } else {
    }
    %barrier3A = arith.constant 0 : index
    tpu.barrier barrier_id(%barrier3A)
    %dma_start3A = arith.constant 0 : i32
    %dma_start3A_9 = arith.constant 0 : i32
    %dma_start3A_10 = tpu.memref_slice %arg5[%dma_start3A, %dma_start3A_9] : memref<79x128xi32, #tpu.memory_space<vmem>> -> memref<1x128xi32, #tpu.memory_space<vmem>>
    %dma_start3A_11 = tpu.memref_squeeze %dma_start3A_10 : memref<1x128xi32, #tpu.memory_space<vmem>> -> memref<128xi32, #tpu.memory_space<vmem>>
    %dma_start3A_12 = arith.constant 0 : i32
    %dma_start3A_13 = arith.constant 0 : i32
    %dma_start3A_14 = tpu.memref_slice %arg7[%dma_start3A_12, %dma_start3A_13] : memref<10240x128xf32, #tpu.memory_space<vmem_shared>> -> memref<10240x128xf32, #tpu.memory_space<vmem_shared>>
    tpu.enqueue_indirect_dma source(%arg6 : memref<128x128xf32, #tpu.memory_space<vmem>>) target(%dma_start3A_14 : memref<10240x128xf32, #tpu.memory_space<vmem_shared>>) offsets(%dma_start3A_11 : memref<128xi32, #tpu.memory_space<vmem>>) semaphore(%arg8 : memref<!tpu.dma_semaphore, #tpu.memory_space<semaphore_mem>>) {add = true}
    %scan3A_15 = arith.constant 0 : i32
    %scan3A_16 = arith.constant 1 : i32
    %scan3A_17 = arith.constant 78 : i32
    %scan3A_18 = arith.addi %scan3A_16, %scan3A_17 : i32
    %scan3A_19 = arith.constant 1 : i32
    scf.for %scan3A_33 = %scan3A_16 to %scan3A_18 step %scan3A_19  : i32 {
      %dma_start3A_34 = arith.constant 0 : i32
      %dma_start3A_35 = tpu.memref_slice %arg5[%scan3A_33, %dma_start3A_34] : memref<79x128xi32, #tpu.memory_space<vmem>> -> memref<1x128xi32, #tpu.memory_space<vmem>>
      %dma_start3A_36 = tpu.memref_squeeze %dma_start3A_35 : memref<1x128xi32, #tpu.memory_space<vmem>> -> memref<128xi32, #tpu.memory_space<vmem>>
      %dma_start3A_37 = arith.constant 0 : i32
      %dma_start3A_38 = arith.constant 0 : i32
      %dma_start3A_39 = tpu.memref_slice %arg7[%dma_start3A_37, %dma_start3A_38] : memref<10240x128xf32, #tpu.memory_space<vmem_shared>> -> memref<10240x128xf32, #tpu.memory_space<vmem_shared>>
      tpu.enqueue_indirect_dma source(%arg6 : memref<128x128xf32, #tpu.memory_space<vmem>>) target(%dma_start3A_39 : memref<10240x128xf32, #tpu.memory_space<vmem_shared>>) offsets(%dma_start3A_36 : memref<128xi32, #tpu.memory_space<vmem>>) semaphore(%arg8 : memref<!tpu.dma_semaphore, #tpu.memory_space<semaphore_mem>>) {add = true}
      %sub3A = arith.constant 1 : i32
      %sub3A_40 = arith.subi %scan3A_33, %sub3A : i32
      %dma_wait3A_41 = arith.constant 0 : i32
      %dma_wait3A_42 = tpu.memref_slice %arg5[%sub3A_40, %dma_wait3A_41] : memref<79x128xi32, #tpu.memory_space<vmem>> -> memref<1x128xi32, #tpu.memory_space<vmem>>
      %dma_wait3A_43 = tpu.memref_squeeze %dma_wait3A_42 : memref<1x128xi32, #tpu.memory_space<vmem>> -> memref<128xi32, #tpu.memory_space<vmem>>
      %dma_wait3A_44 = arith.constant 0 : i32
      %dma_wait3A_45 = arith.constant 0 : i32
      %dma_wait3A_46 = tpu.memref_slice %arg7[%dma_wait3A_44, %dma_wait3A_45] : memref<10240x128xf32, #tpu.memory_space<vmem_shared>> -> memref<10240x128xf32, #tpu.memory_space<vmem_shared>>
      tpu.wait_indirect_dma semaphore(%arg8 : memref<!tpu.dma_semaphore, #tpu.memory_space<semaphore_mem>>) src(%arg6 : memref<128x128xf32, #tpu.memory_space<vmem>>) dst(%dma_wait3A_46 : memref<10240x128xf32, #tpu.memory_space<vmem_shared>>)
    }
    %scan3A_20 = arith.constant 78 : i32
    %dma_wait3A = arith.constant 78 : i32
    %dma_wait3A_21 = arith.constant 0 : i32
    %dma_wait3A_22 = tpu.memref_slice %arg5[%dma_wait3A, %dma_wait3A_21] : memref<79x128xi32, #tpu.memory_space<vmem>> -> memref<1x128xi32, #tpu.memory_space<vmem>>
    %dma_wait3A_23 = tpu.memref_squeeze %dma_wait3A_22 : memref<1x128xi32, #tpu.memory_space<vmem>> -> memref<128xi32, #tpu.memory_space<vmem>>
    %dma_wait3A_24 = arith.constant 0 : i32
    %dma_wait3A_25 = arith.constant 0 : i32
    %dma_wait3A_26 = tpu.memref_slice %arg7[%dma_wait3A_24, %dma_wait3A_25] : memref<10240x128xf32, #tpu.memory_space<vmem_shared>> -> memref<10240x128xf32, #tpu.memory_space<vmem_shared>>
    tpu.wait_indirect_dma semaphore(%arg8 : memref<!tpu.dma_semaphore, #tpu.memory_space<semaphore_mem>>) src(%arg6 : memref<128x128xf32, #tpu.memory_space<vmem>>) dst(%dma_wait3A_26 : memref<10240x128xf32, #tpu.memory_space<vmem_shared>>)
    %barrier3A_27 = arith.constant 0 : index
    tpu.barrier barrier_id(%barrier3A_27)
    %eq3A_28 = arith.constant 0 : i32
    %eq3A_29 = arith.cmpi eq, %arg1, %eq3A_28 : i32
    %convert_element_type3A_30 = arith.extui %eq3A_29 : i1 to i32
    %cond3A_31 = arith.constant 0 : i32
    %cond3A_32 = arith.cmpi ne, %convert_element_type3A_30, %cond3A_31 : i32
    scf.if %cond3A_32 {
      "tpu.region"() ({
        %run_scoped3A = tpu.sem_alloc : memref<!tpu.dma_semaphore, #tpu.memory_space<semaphore_mem>>
        %dma_start3A_33 = arith.constant 0 : i32
        %dma_start3A_34 = arith.constant 0 : i32
        %dma_start3A_35 = tpu.memref_slice %arg4[%arg0, %dma_start3A_33, %dma_start3A_34] : memref<2x10240x128xf32, #tpu.memory_space<hbm>> -> memref<1x10240x128xf32, #tpu.memory_space<hbm>>
        %dma_start3A_36 = tpu.memref_squeeze %dma_start3A_35 : memref<1x10240x128xf32, #tpu.memory_space<hbm>> -> memref<10240x128xf32, #tpu.memory_space<hbm>>
        tpu.enqueue_dma source(%arg7 : memref<10240x128xf32, #tpu.memory_space<vmem_shared>>) target(%dma_start3A_36 : memref<10240x128xf32, #tpu.memory_space<hbm>>) target_semaphore(%run_scoped3A : memref<!tpu.dma_semaphore, #tpu.memory_space<semaphore_mem>>)
        %dma_wait3A_37 = arith.constant 0 : i32
        %dma_wait3A_38 = arith.constant 0 : i32
        %dma_wait3A_39 = tpu.memref_slice %arg4[%arg0, %dma_wait3A_37, %dma_wait3A_38] : memref<2x10240x128xf32, #tpu.memory_space<hbm>> -> memref<1x10240x128xf32, #tpu.memory_space<hbm>>
        %dma_wait3A_40 = tpu.memref_squeeze %dma_wait3A_39 : memref<1x10240x128xf32, #tpu.memory_space<hbm>> -> memref<10240x128xf32, #tpu.memory_space<hbm>>
        tpu.wait_dma2 semaphore(%run_scoped3A : memref<!tpu.dma_semaphore, #tpu.memory_space<semaphore_mem>>) src(%arg7 : memref<10240x128xf32, #tpu.memory_space<vmem_shared>>) dst(%dma_wait3A_40 : memref<10240x128xf32, #tpu.memory_space<hbm>>)
        tpu.yield
      }) : () -> ()
    } else {
    }
    return
  }
}

#map = affine_map<(d0, d1) -> (0, 0)>
#map1 = affine_map<(d0, d1) -> (0, 0, 0)>
module attributes {stable_mosaic.version = 14 : i64} {
  func.func @agg_kernel(%arg0: i32, %arg1: i32, %arg2: memref<10240x128xf32, #tpu.memory_space<hbm>>, %arg3: memref<32x79x128xi32, #tpu.memory_space<hbm>>, %arg4: memref<32x79x128xi32, #tpu.memory_space<hbm>>, %arg5: memref<10240x128xf32, #tpu.memory_space<hbm>>, %arg6: memref<2x10240x128xf32, #tpu.memory_space<hbm>>, %arg7: memref<2x128xi32, #tpu.memory_space<vmem>>, %arg8: memref<79x128xi32, #tpu.memory_space<vmem>>, %arg9: memref<2x128x128xf32, #tpu.memory_space<vmem>>, %arg10: memref<10240x128xf32, #tpu.memory_space<vmem_shared>>, %arg11: memref<!tpu.dma_semaphore, #tpu.memory_space<semaphore_mem>>, %arg12: memref<!tpu.dma_semaphore, #tpu.memory_space<semaphore_mem>>, %arg13: memref<!tpu.dma_semaphore, #tpu.memory_space<semaphore_mem>>) attributes {dimension_semantics = [#tpu.dimension_semantics<core_parallel>, #tpu.dimension_semantics<subcore_parallel>], iteration_bounds = array<i64: 2, 16>, scalar_prefetch = 0 : i64, scratch_operands = 7 : i64, tpu.core_type = #tpu.core_type<sc_vector_subcore>, window_params = [{transform_indices = #map}, {transform_indices = #map1}, {transform_indices = #map1}, {transform_indices = #map}, {transform_indices = #map1}]} {
    %mul3A = arith.constant 16 : i32
    %mul3A_0 = arith.muli %arg0, %mul3A : i32
    %add3A = arith.addi %mul3A_0, %arg1 : i32
    "tpu.region"() ({
      %run_scoped3A = tpu.sem_alloc : memref<!tpu.dma_semaphore, #tpu.memory_space<semaphore_mem>>
      %dma_start3A_65 = arith.constant 0 : i32
      %dma_start3A_66 = arith.constant 0 : i32
      %dma_start3A_67 = tpu.memref_slice %arg4[%add3A, %dma_start3A_65, %dma_start3A_66] : memref<32x79x128xi32, #tpu.memory_space<hbm>> -> memref<1x79x128xi32, #tpu.memory_space<hbm>>
      %dma_start3A_68 = tpu.memref_squeeze %dma_start3A_67 : memref<1x79x128xi32, #tpu.memory_space<hbm>> -> memref<79x128xi32, #tpu.memory_space<hbm>>
      %dma_start3A_69 = arith.constant 0 : i32
      %dma_start3A_70 = arith.constant 0 : i32
      %dma_start3A_71 = tpu.memref_slice %arg4[%add3A, %dma_start3A_69, %dma_start3A_70] : memref<32x79x128xi32, #tpu.memory_space<hbm>> -> memref<1x79x128xi32, #tpu.memory_space<hbm>>
      %dma_start3A_72 = tpu.memref_squeeze %dma_start3A_71 : memref<1x79x128xi32, #tpu.memory_space<hbm>> -> memref<79x128xi32, #tpu.memory_space<hbm>>
      tpu.enqueue_dma source(%dma_start3A_72 : memref<79x128xi32, #tpu.memory_space<hbm>>) target(%arg8 : memref<79x128xi32, #tpu.memory_space<vmem>>) target_semaphore(%run_scoped3A : memref<!tpu.dma_semaphore, #tpu.memory_space<semaphore_mem>>)
      %dma_wait3A_73 = arith.constant 0 : i32
      %dma_wait3A_74 = arith.constant 0 : i32
      %dma_wait3A_75 = tpu.memref_slice %arg4[%add3A, %dma_wait3A_73, %dma_wait3A_74] : memref<32x79x128xi32, #tpu.memory_space<hbm>> -> memref<1x79x128xi32, #tpu.memory_space<hbm>>
      %dma_wait3A_76 = tpu.memref_squeeze %dma_wait3A_75 : memref<1x79x128xi32, #tpu.memory_space<hbm>> -> memref<79x128xi32, #tpu.memory_space<hbm>>
      %dma_wait3A_77 = arith.constant 0 : i32
      %dma_wait3A_78 = arith.constant 0 : i32
      %dma_wait3A_79 = tpu.memref_slice %arg4[%add3A, %dma_wait3A_77, %dma_wait3A_78] : memref<32x79x128xi32, #tpu.memory_space<hbm>> -> memref<1x79x128xi32, #tpu.memory_space<hbm>>
      %dma_wait3A_80 = tpu.memref_squeeze %dma_wait3A_79 : memref<1x79x128xi32, #tpu.memory_space<hbm>> -> memref<79x128xi32, #tpu.memory_space<hbm>>
      tpu.wait_dma2 semaphore(%run_scoped3A : memref<!tpu.dma_semaphore, #tpu.memory_space<semaphore_mem>>) src(%dma_wait3A_80 : memref<79x128xi32, #tpu.memory_space<hbm>>) dst(%arg8 : memref<79x128xi32, #tpu.memory_space<vmem>>)
      tpu.yield
    }) : () -> ()
    %eq3A = arith.constant 0 : i32
    %eq3A_1 = arith.cmpi eq, %arg1, %eq3A : i32
    %convert_element_type3A = arith.extui %eq3A_1 : i1 to i32
    %cond3A = arith.constant 0 : i32
    %cond3A_2 = arith.cmpi ne, %convert_element_type3A, %cond3A : i32
    scf.if %cond3A_2 {
      "tpu.region"() ({
        %run_scoped3A = tpu.sem_alloc : memref<!tpu.dma_semaphore, #tpu.memory_space<semaphore_mem>>
        tpu.enqueue_dma source(%arg5 : memref<10240x128xf32, #tpu.memory_space<hbm>>) target(%arg10 : memref<10240x128xf32, #tpu.memory_space<vmem_shared>>) target_semaphore(%run_scoped3A : memref<!tpu.dma_semaphore, #tpu.memory_space<semaphore_mem>>)
        tpu.wait_dma2 semaphore(%run_scoped3A : memref<!tpu.dma_semaphore, #tpu.memory_space<semaphore_mem>>) src(%arg5 : memref<10240x128xf32, #tpu.memory_space<hbm>>) dst(%arg10 : memref<10240x128xf32, #tpu.memory_space<vmem_shared>>)
        tpu.yield
      }) : () -> ()
    } else {
    }
    %barrier3A = arith.constant 0 : index
    tpu.barrier barrier_id(%barrier3A)
    %dma_start3A = arith.constant 0 : i32
    %dma_start3A_3 = arith.constant 0 : i32
    %dma_start3A_4 = arith.constant 0 : i32
    %dma_start3A_5 = tpu.memref_slice %arg7[%dma_start3A_3, %dma_start3A_4] : memref<2x128xi32, #tpu.memory_space<vmem>> -> memref<1x128xi32, #tpu.memory_space<vmem>>
    %dma_start3A_6 = tpu.memref_squeeze %dma_start3A_5 : memref<1x128xi32, #tpu.memory_space<vmem>> -> memref<128xi32, #tpu.memory_space<vmem>>
    %dma_start3A_7 = arith.constant 0 : i32
    %dma_start3A_8 = tpu.memref_slice %arg3[%add3A, %dma_start3A, %dma_start3A_7] : memref<32x79x128xi32, #tpu.memory_space<hbm>> -> memref<1x1x128xi32, #tpu.memory_space<hbm>>
    %dma_start3A_9 = tpu.memref_squeeze %dma_start3A_8 : memref<1x1x128xi32, #tpu.memory_space<hbm>> -> memref<128xi32, #tpu.memory_space<hbm>>
    %dma_start3A_10 = arith.constant 0 : i32
    %dma_start3A_11 = tpu.memref_slice %arg7[%dma_start3A_3, %dma_start3A_10] : memref<2x128xi32, #tpu.memory_space<vmem>> -> memref<1x128xi32, #tpu.memory_space<vmem>>
    %dma_start3A_12 = tpu.memref_squeeze %dma_start3A_11 : memref<1x128xi32, #tpu.memory_space<vmem>> -> memref<128xi32, #tpu.memory_space<vmem>>
    %dma_start3A_13 = arith.constant 0 : i32
    %dma_start3A_14 = tpu.memref_slice %arg3[%add3A, %dma_start3A, %dma_start3A_13] : memref<32x79x128xi32, #tpu.memory_space<hbm>> -> memref<1x1x128xi32, #tpu.memory_space<hbm>>
    %dma_start3A_15 = tpu.memref_squeeze %dma_start3A_14 : memref<1x1x128xi32, #tpu.memory_space<hbm>> -> memref<128xi32, #tpu.memory_space<hbm>>
    tpu.enqueue_dma source(%dma_start3A_15 : memref<128xi32, #tpu.memory_space<hbm>>) target(%dma_start3A_12 : memref<128xi32, #tpu.memory_space<vmem>>) target_semaphore(%arg13 : memref<!tpu.dma_semaphore, #tpu.memory_space<semaphore_mem>>)
    %dma_wait3A = arith.constant 0 : i32
    %dma_wait3A_16 = arith.constant 0 : i32
    %dma_wait3A_17 = arith.constant 0 : i32
    %dma_wait3A_18 = tpu.memref_slice %arg7[%dma_wait3A_16, %dma_wait3A_17] : memref<2x128xi32, #tpu.memory_space<vmem>> -> memref<1x128xi32, #tpu.memory_space<vmem>>
    %dma_wait3A_19 = tpu.memref_squeeze %dma_wait3A_18 : memref<1x128xi32, #tpu.memory_space<vmem>> -> memref<128xi32, #tpu.memory_space<vmem>>
    %dma_wait3A_20 = arith.constant 0 : i32
    %dma_wait3A_21 = tpu.memref_slice %arg3[%add3A, %dma_wait3A, %dma_wait3A_20] : memref<32x79x128xi32, #tpu.memory_space<hbm>> -> memref<1x1x128xi32, #tpu.memory_space<hbm>>
    %dma_wait3A_22 = tpu.memref_squeeze %dma_wait3A_21 : memref<1x1x128xi32, #tpu.memory_space<hbm>> -> memref<128xi32, #tpu.memory_space<hbm>>
    %dma_wait3A_23 = arith.constant 0 : i32
    %dma_wait3A_24 = tpu.memref_slice %arg7[%dma_wait3A_16, %dma_wait3A_23] : memref<2x128xi32, #tpu.memory_space<vmem>> -> memref<1x128xi32, #tpu.memory_space<vmem>>
    %dma_wait3A_25 = tpu.memref_squeeze %dma_wait3A_24 : memref<1x128xi32, #tpu.memory_space<vmem>> -> memref<128xi32, #tpu.memory_space<vmem>>
    %dma_wait3A_26 = arith.constant 0 : i32
    %dma_wait3A_27 = tpu.memref_slice %arg3[%add3A, %dma_wait3A, %dma_wait3A_26] : memref<32x79x128xi32, #tpu.memory_space<hbm>> -> memref<1x1x128xi32, #tpu.memory_space<hbm>>
    %dma_wait3A_28 = tpu.memref_squeeze %dma_wait3A_27 : memref<1x1x128xi32, #tpu.memory_space<hbm>> -> memref<128xi32, #tpu.memory_space<hbm>>
    tpu.wait_dma2 semaphore(%arg13 : memref<!tpu.dma_semaphore, #tpu.memory_space<semaphore_mem>>) src(%dma_wait3A_28 : memref<128xi32, #tpu.memory_space<hbm>>) dst(%dma_wait3A_25 : memref<128xi32, #tpu.memory_space<vmem>>)
    %dma_start3A_29 = arith.constant 0 : i32
    %dma_start3A_30 = arith.constant 0 : i32
    %dma_start3A_31 = arith.constant 0 : i32
    %dma_start3A_32 = arith.constant 0 : i32
    %dma_start3A_33 = tpu.memref_slice %arg9[%dma_start3A_30, %dma_start3A_31, %dma_start3A_32] : memref<2x128x128xf32, #tpu.memory_space<vmem>> -> memref<1x128x128xf32, #tpu.memory_space<vmem>>
    %dma_start3A_34 = tpu.memref_squeeze %dma_start3A_33 : memref<1x128x128xf32, #tpu.memory_space<vmem>> -> memref<128x128xf32, #tpu.memory_space<vmem>>
    %dma_start3A_35 = arith.constant 0 : i32
    %dma_start3A_36 = tpu.memref_slice %arg7[%dma_start3A_29, %dma_start3A_35] : memref<2x128xi32, #tpu.memory_space<vmem>> -> memref<1x128xi32, #tpu.memory_space<vmem>>
    %dma_start3A_37 = tpu.memref_squeeze %dma_start3A_36 : memref<1x128xi32, #tpu.memory_space<vmem>> -> memref<128xi32, #tpu.memory_space<vmem>>
    %dma_start3A_38 = arith.constant 0 : i32
    %dma_start3A_39 = arith.constant 0 : i32
    %dma_start3A_40 = tpu.memref_slice %arg2[%dma_start3A_38, %dma_start3A_39] : memref<10240x128xf32, #tpu.memory_space<hbm>> -> memref<10240x128xf32, #tpu.memory_space<hbm>>
    tpu.enqueue_indirect_dma source(%dma_start3A_40 : memref<10240x128xf32, #tpu.memory_space<hbm>>) target(%dma_start3A_34 : memref<128x128xf32, #tpu.memory_space<vmem>>) offsets(%dma_start3A_37 : memref<128xi32, #tpu.memory_space<vmem>>) semaphore(%arg11 : memref<!tpu.dma_semaphore, #tpu.memory_space<semaphore_mem>>)
    %scan3A = arith.constant 0 : i32
    %scan3A_41 = arith.constant 0 : i32
    %scan3A_42 = arith.constant 79 : i32
    %scan3A_43 = arith.addi %scan3A_41, %scan3A_42 : i32
    %scan3A_44 = arith.constant 1 : i32
    scf.for %scan3A_65 = %scan3A_41 to %scan3A_43 step %scan3A_44  : i32 {
      %rem3A_66 = arith.constant 2 : i32
      %rem3A_67 = arith.remsi %scan3A_65, %rem3A_66 : i32
      %add3A_68 = arith.constant 1 : i32
      %add3A_69 = arith.addi %scan3A_65, %add3A_68 : i32
      %rem3A_70 = arith.constant 2 : i32
      %rem3A_71 = arith.remsi %add3A_69, %rem3A_70 : i32
      %add3A_72 = arith.constant 1 : i32
      %add3A_73 = arith.addi %scan3A_65, %add3A_72 : i32
      %lt3A = arith.constant 79 : i32
      %lt3A_74 = arith.cmpi slt, %add3A_73, %lt3A : i32
      %convert_element_type3A_75 = arith.extui %lt3A_74 : i1 to i32
      %cond3A_76 = arith.constant 0 : i32
      %cond3A_77 = arith.cmpi ne, %convert_element_type3A_75, %cond3A_76 : i32
      scf.if %cond3A_77 {
        %add3A_109 = arith.constant 1 : i32
        %add3A_110 = arith.addi %scan3A_65, %add3A_109 : i32
        %dma_start3A_111 = arith.constant 0 : i32
        %dma_start3A_112 = tpu.memref_slice %arg7[%rem3A_71, %dma_start3A_111] : memref<2x128xi32, #tpu.memory_space<vmem>> -> memref<1x128xi32, #tpu.memory_space<vmem>>
        %dma_start3A_113 = tpu.memref_squeeze %dma_start3A_112 : memref<1x128xi32, #tpu.memory_space<vmem>> -> memref<128xi32, #tpu.memory_space<vmem>>
        %dma_start3A_114 = arith.constant 0 : i32
        %dma_start3A_115 = tpu.memref_slice %arg3[%add3A, %add3A_110, %dma_start3A_114] : memref<32x79x128xi32, #tpu.memory_space<hbm>> -> memref<1x1x128xi32, #tpu.memory_space<hbm>>
        %dma_start3A_116 = tpu.memref_squeeze %dma_start3A_115 : memref<1x1x128xi32, #tpu.memory_space<hbm>> -> memref<128xi32, #tpu.memory_space<hbm>>
        %dma_start3A_117 = arith.constant 0 : i32
        %dma_start3A_118 = tpu.memref_slice %arg7[%rem3A_71, %dma_start3A_117] : memref<2x128xi32, #tpu.memory_space<vmem>> -> memref<1x128xi32, #tpu.memory_space<vmem>>
        %dma_start3A_119 = tpu.memref_squeeze %dma_start3A_118 : memref<1x128xi32, #tpu.memory_space<vmem>> -> memref<128xi32, #tpu.memory_space<vmem>>
        %dma_start3A_120 = arith.constant 0 : i32
        %dma_start3A_121 = tpu.memref_slice %arg3[%add3A, %add3A_110, %dma_start3A_120] : memref<32x79x128xi32, #tpu.memory_space<hbm>> -> memref<1x1x128xi32, #tpu.memory_space<hbm>>
        %dma_start3A_122 = tpu.memref_squeeze %dma_start3A_121 : memref<1x1x128xi32, #tpu.memory_space<hbm>> -> memref<128xi32, #tpu.memory_space<hbm>>
        tpu.enqueue_dma source(%dma_start3A_122 : memref<128xi32, #tpu.memory_space<hbm>>) target(%dma_start3A_119 : memref<128xi32, #tpu.memory_space<vmem>>) target_semaphore(%arg13 : memref<!tpu.dma_semaphore, #tpu.memory_space<semaphore_mem>>)
      } else {
      }
      %dma_wait3A_78 = arith.constant 0 : i32
      %dma_wait3A_79 = arith.constant 0 : i32
      %dma_wait3A_80 = tpu.memref_slice %arg9[%rem3A_67, %dma_wait3A_78, %dma_wait3A_79] : memref<2x128x128xf32, #tpu.memory_space<vmem>> -> memref<1x128x128xf32, #tpu.memory_space<vmem>>
      %dma_wait3A_81 = tpu.memref_squeeze %dma_wait3A_80 : memref<1x128x128xf32, #tpu.memory_space<vmem>> -> memref<128x128xf32, #tpu.memory_space<vmem>>
      %dma_wait3A_82 = arith.constant 0 : i32
      %dma_wait3A_83 = tpu.memref_slice %arg7[%rem3A_67, %dma_wait3A_82] : memref<2x128xi32, #tpu.memory_space<vmem>> -> memref<1x128xi32, #tpu.memory_space<vmem>>
      %dma_wait3A_84 = tpu.memref_squeeze %dma_wait3A_83 : memref<1x128xi32, #tpu.memory_space<vmem>> -> memref<128xi32, #tpu.memory_space<vmem>>
      %dma_wait3A_85 = arith.constant 0 : i32
      %dma_wait3A_86 = arith.constant 0 : i32
      %dma_wait3A_87 = tpu.memref_slice %arg2[%dma_wait3A_85, %dma_wait3A_86] : memref<10240x128xf32, #tpu.memory_space<hbm>> -> memref<10240x128xf32, #tpu.memory_space<hbm>>
      tpu.wait_indirect_dma semaphore(%arg11 : memref<!tpu.dma_semaphore, #tpu.memory_space<semaphore_mem>>) src(%dma_wait3A_87 : memref<10240x128xf32, #tpu.memory_space<hbm>>) dst(%dma_wait3A_81 : memref<128x128xf32, #tpu.memory_space<vmem>>)
      %ge3A = arith.constant 1 : i32
      %ge3A_88 = arith.cmpi sge, %scan3A_65, %ge3A : i32
      %convert_element_type3A_89 = arith.extui %ge3A_88 : i1 to i32
      %cond3A_90 = arith.constant 0 : i32
      %cond3A_91 = arith.cmpi ne, %convert_element_type3A_89, %cond3A_90 : i32
      scf.if %cond3A_91 {
        %sub3A = arith.constant 1 : i32
        %sub3A_109 = arith.subi %scan3A_65, %sub3A : i32
        %dma_wait3A_110 = arith.constant 0 : i32
        %dma_wait3A_111 = arith.constant 0 : i32
        %dma_wait3A_112 = tpu.memref_slice %arg9[%rem3A_71, %dma_wait3A_110, %dma_wait3A_111] : memref<2x128x128xf32, #tpu.memory_space<vmem>> -> memref<1x128x128xf32, #tpu.memory_space<vmem>>
        %dma_wait3A_113 = tpu.memref_squeeze %dma_wait3A_112 : memref<1x128x128xf32, #tpu.memory_space<vmem>> -> memref<128x128xf32, #tpu.memory_space<vmem>>
        %dma_wait3A_114 = arith.constant 0 : i32
        %dma_wait3A_115 = tpu.memref_slice %arg8[%sub3A_109, %dma_wait3A_114] : memref<79x128xi32, #tpu.memory_space<vmem>> -> memref<1x128xi32, #tpu.memory_space<vmem>>
        %dma_wait3A_116 = tpu.memref_squeeze %dma_wait3A_115 : memref<1x128xi32, #tpu.memory_space<vmem>> -> memref<128xi32, #tpu.memory_space<vmem>>
        %dma_wait3A_117 = arith.constant 0 : i32
        %dma_wait3A_118 = arith.constant 0 : i32
        %dma_wait3A_119 = tpu.memref_slice %arg10[%dma_wait3A_117, %dma_wait3A_118] : memref<10240x128xf32, #tpu.memory_space<vmem_shared>> -> memref<10240x128xf32, #tpu.memory_space<vmem_shared>>
        tpu.wait_indirect_dma semaphore(%arg12 : memref<!tpu.dma_semaphore, #tpu.memory_space<semaphore_mem>>) src(%dma_wait3A_113 : memref<128x128xf32, #tpu.memory_space<vmem>>) dst(%dma_wait3A_119 : memref<10240x128xf32, #tpu.memory_space<vmem_shared>>)
      } else {
      }
      %add3A_92 = arith.constant 1 : i32
      %add3A_93 = arith.addi %scan3A_65, %add3A_92 : i32
      %lt3A_94 = arith.constant 79 : i32
      %lt3A_95 = arith.cmpi slt, %add3A_93, %lt3A_94 : i32
      %convert_element_type3A_96 = arith.extui %lt3A_95 : i1 to i32
      %cond3A_97 = arith.constant 0 : i32
      %cond3A_98 = arith.cmpi ne, %convert_element_type3A_96, %cond3A_97 : i32
      scf.if %cond3A_98 {
        %add3A_109 = arith.constant 1 : i32
        %add3A_110 = arith.addi %scan3A_65, %add3A_109 : i32
        %dma_wait3A_111 = arith.constant 0 : i32
        %dma_wait3A_112 = tpu.memref_slice %arg7[%rem3A_71, %dma_wait3A_111] : memref<2x128xi32, #tpu.memory_space<vmem>> -> memref<1x128xi32, #tpu.memory_space<vmem>>
        %dma_wait3A_113 = tpu.memref_squeeze %dma_wait3A_112 : memref<1x128xi32, #tpu.memory_space<vmem>> -> memref<128xi32, #tpu.memory_space<vmem>>
        %dma_wait3A_114 = arith.constant 0 : i32
        %dma_wait3A_115 = tpu.memref_slice %arg3[%add3A, %add3A_110, %dma_wait3A_114] : memref<32x79x128xi32, #tpu.memory_space<hbm>> -> memref<1x1x128xi32, #tpu.memory_space<hbm>>
        %dma_wait3A_116 = tpu.memref_squeeze %dma_wait3A_115 : memref<1x1x128xi32, #tpu.memory_space<hbm>> -> memref<128xi32, #tpu.memory_space<hbm>>
        %dma_wait3A_117 = arith.constant 0 : i32
        %dma_wait3A_118 = tpu.memref_slice %arg7[%rem3A_71, %dma_wait3A_117] : memref<2x128xi32, #tpu.memory_space<vmem>> -> memref<1x128xi32, #tpu.memory_space<vmem>>
        %dma_wait3A_119 = tpu.memref_squeeze %dma_wait3A_118 : memref<1x128xi32, #tpu.memory_space<vmem>> -> memref<128xi32, #tpu.memory_space<vmem>>
        %dma_wait3A_120 = arith.constant 0 : i32
        %dma_wait3A_121 = tpu.memref_slice %arg3[%add3A, %add3A_110, %dma_wait3A_120] : memref<32x79x128xi32, #tpu.memory_space<hbm>> -> memref<1x1x128xi32, #tpu.memory_space<hbm>>
        %dma_wait3A_122 = tpu.memref_squeeze %dma_wait3A_121 : memref<1x1x128xi32, #tpu.memory_space<hbm>> -> memref<128xi32, #tpu.memory_space<hbm>>
        tpu.wait_dma2 semaphore(%arg13 : memref<!tpu.dma_semaphore, #tpu.memory_space<semaphore_mem>>) src(%dma_wait3A_122 : memref<128xi32, #tpu.memory_space<hbm>>) dst(%dma_wait3A_119 : memref<128xi32, #tpu.memory_space<vmem>>)
        %dma_start3A_123 = arith.constant 0 : i32
        %dma_start3A_124 = arith.constant 0 : i32
        %dma_start3A_125 = tpu.memref_slice %arg9[%rem3A_71, %dma_start3A_123, %dma_start3A_124] : memref<2x128x128xf32, #tpu.memory_space<vmem>> -> memref<1x128x128xf32, #tpu.memory_space<vmem>>
        %dma_start3A_126 = tpu.memref_squeeze %dma_start3A_125 : memref<1x128x128xf32, #tpu.memory_space<vmem>> -> memref<128x128xf32, #tpu.memory_space<vmem>>
        %dma_start3A_127 = arith.constant 0 : i32
        %dma_start3A_128 = tpu.memref_slice %arg7[%rem3A_71, %dma_start3A_127] : memref<2x128xi32, #tpu.memory_space<vmem>> -> memref<1x128xi32, #tpu.memory_space<vmem>>
        %dma_start3A_129 = tpu.memref_squeeze %dma_start3A_128 : memref<1x128xi32, #tpu.memory_space<vmem>> -> memref<128xi32, #tpu.memory_space<vmem>>
        %dma_start3A_130 = arith.constant 0 : i32
        %dma_start3A_131 = arith.constant 0 : i32
        %dma_start3A_132 = tpu.memref_slice %arg2[%dma_start3A_130, %dma_start3A_131] : memref<10240x128xf32, #tpu.memory_space<hbm>> -> memref<10240x128xf32, #tpu.memory_space<hbm>>
        tpu.enqueue_indirect_dma source(%dma_start3A_132 : memref<10240x128xf32, #tpu.memory_space<hbm>>) target(%dma_start3A_126 : memref<128x128xf32, #tpu.memory_space<vmem>>) offsets(%dma_start3A_129 : memref<128xi32, #tpu.memory_space<vmem>>) semaphore(%arg11 : memref<!tpu.dma_semaphore, #tpu.memory_space<semaphore_mem>>)
      } else {
      }
      %dma_start3A_99 = arith.constant 0 : i32
      %dma_start3A_100 = arith.constant 0 : i32
      %dma_start3A_101 = tpu.memref_slice %arg9[%rem3A_67, %dma_start3A_99, %dma_start3A_100] : memref<2x128x128xf32, #tpu.memory_space<vmem>> -> memref<1x128x128xf32, #tpu.memory_space<vmem>>
      %dma_start3A_102 = tpu.memref_squeeze %dma_start3A_101 : memref<1x128x128xf32, #tpu.memory_space<vmem>> -> memref<128x128xf32, #tpu.memory_space<vmem>>
      %dma_start3A_103 = arith.constant 0 : i32
      %dma_start3A_104 = tpu.memref_slice %arg8[%scan3A_65, %dma_start3A_103] : memref<79x128xi32, #tpu.memory_space<vmem>> -> memref<1x128xi32, #tpu.memory_space<vmem>>
      %dma_start3A_105 = tpu.memref_squeeze %dma_start3A_104 : memref<1x128xi32, #tpu.memory_space<vmem>> -> memref<128xi32, #tpu.memory_space<vmem>>
      %dma_start3A_106 = arith.constant 0 : i32
      %dma_start3A_107 = arith.constant 0 : i32
      %dma_start3A_108 = tpu.memref_slice %arg10[%dma_start3A_106, %dma_start3A_107] : memref<10240x128xf32, #tpu.memory_space<vmem_shared>> -> memref<10240x128xf32, #tpu.memory_space<vmem_shared>>
      tpu.enqueue_indirect_dma source(%dma_start3A_102 : memref<128x128xf32, #tpu.memory_space<vmem>>) target(%dma_start3A_108 : memref<10240x128xf32, #tpu.memory_space<vmem_shared>>) offsets(%dma_start3A_105 : memref<128xi32, #tpu.memory_space<vmem>>) semaphore(%arg12 : memref<!tpu.dma_semaphore, #tpu.memory_space<semaphore_mem>>) {add = true}
    }
    %scan3A_45 = arith.constant 79 : i32
    %rem3A = arith.constant 78 : i32
    %rem3A_46 = arith.constant 2 : i32
    %rem3A_47 = arith.remsi %rem3A, %rem3A_46 : i32
    %dma_wait3A_48 = arith.constant 78 : i32
    %dma_wait3A_49 = arith.constant 0 : i32
    %dma_wait3A_50 = arith.constant 0 : i32
    %dma_wait3A_51 = tpu.memref_slice %arg9[%rem3A_47, %dma_wait3A_49, %dma_wait3A_50] : memref<2x128x128xf32, #tpu.memory_space<vmem>> -> memref<1x128x128xf32, #tpu.memory_space<vmem>>
    %dma_wait3A_52 = tpu.memref_squeeze %dma_wait3A_51 : memref<1x128x128xf32, #tpu.memory_space<vmem>> -> memref<128x128xf32, #tpu.memory_space<vmem>>
    %dma_wait3A_53 = arith.constant 0 : i32
    %dma_wait3A_54 = tpu.memref_slice %arg8[%dma_wait3A_48, %dma_wait3A_53] : memref<79x128xi32, #tpu.memory_space<vmem>> -> memref<1x128xi32, #tpu.memory_space<vmem>>
    %dma_wait3A_55 = tpu.memref_squeeze %dma_wait3A_54 : memref<1x128xi32, #tpu.memory_space<vmem>> -> memref<128xi32, #tpu.memory_space<vmem>>
    %dma_wait3A_56 = arith.constant 0 : i32
    %dma_wait3A_57 = arith.constant 0 : i32
    %dma_wait3A_58 = tpu.memref_slice %arg10[%dma_wait3A_56, %dma_wait3A_57] : memref<10240x128xf32, #tpu.memory_space<vmem_shared>> -> memref<10240x128xf32, #tpu.memory_space<vmem_shared>>
    tpu.wait_indirect_dma semaphore(%arg12 : memref<!tpu.dma_semaphore, #tpu.memory_space<semaphore_mem>>) src(%dma_wait3A_52 : memref<128x128xf32, #tpu.memory_space<vmem>>) dst(%dma_wait3A_58 : memref<10240x128xf32, #tpu.memory_space<vmem_shared>>)
    %barrier3A_59 = arith.constant 0 : index
    tpu.barrier barrier_id(%barrier3A_59)
    %eq3A_60 = arith.constant 0 : i32
    %eq3A_61 = arith.cmpi eq, %arg1, %eq3A_60 : i32
    %convert_element_type3A_62 = arith.extui %eq3A_61 : i1 to i32
    %cond3A_63 = arith.constant 0 : i32
    %cond3A_64 = arith.cmpi ne, %convert_element_type3A_62, %cond3A_63 : i32
    scf.if %cond3A_64 {
      "tpu.region"() ({
        %run_scoped3A = tpu.sem_alloc : memref<!tpu.dma_semaphore, #tpu.memory_space<semaphore_mem>>
        %dma_start3A_65 = arith.constant 0 : i32
        %dma_start3A_66 = arith.constant 0 : i32
        %dma_start3A_67 = tpu.memref_slice %arg6[%arg0, %dma_start3A_65, %dma_start3A_66] : memref<2x10240x128xf32, #tpu.memory_space<hbm>> -> memref<1x10240x128xf32, #tpu.memory_space<hbm>>
        %dma_start3A_68 = tpu.memref_squeeze %dma_start3A_67 : memref<1x10240x128xf32, #tpu.memory_space<hbm>> -> memref<10240x128xf32, #tpu.memory_space<hbm>>
        tpu.enqueue_dma source(%arg10 : memref<10240x128xf32, #tpu.memory_space<vmem_shared>>) target(%dma_start3A_68 : memref<10240x128xf32, #tpu.memory_space<hbm>>) target_semaphore(%run_scoped3A : memref<!tpu.dma_semaphore, #tpu.memory_space<semaphore_mem>>)
        %dma_wait3A_69 = arith.constant 0 : i32
        %dma_wait3A_70 = arith.constant 0 : i32
        %dma_wait3A_71 = tpu.memref_slice %arg6[%arg0, %dma_wait3A_69, %dma_wait3A_70] : memref<2x10240x128xf32, #tpu.memory_space<hbm>> -> memref<1x10240x128xf32, #tpu.memory_space<hbm>>
        %dma_wait3A_72 = tpu.memref_squeeze %dma_wait3A_71 : memref<1x10240x128xf32, #tpu.memory_space<hbm>> -> memref<10240x128xf32, #tpu.memory_space<hbm>>
        tpu.wait_dma2 semaphore(%run_scoped3A : memref<!tpu.dma_semaphore, #tpu.memory_space<semaphore_mem>>) src(%arg10 : memref<10240x128xf32, #tpu.memory_space<vmem_shared>>) dst(%dma_wait3A_72 : memref<10240x128xf32, #tpu.memory_space<hbm>>)
        tpu.yield
      }) : () -> ()
    } else {
    }
    return
  }
}

#map = affine_map<(d0, d1) -> (0, 0)>
#map1 = affine_map<(d0, d1) -> (0, 0, 0)>
module attributes {stable_mosaic.version = 14 : i64} {
  func.func @agg_kernel(%arg0: i32, %arg1: i32, %arg2: memref<10240x128xf32, #tpu.memory_space<hbm>>, %arg3: memref<32x79x128xi32, #tpu.memory_space<hbm>>, %arg4: memref<32x79x128xi32, #tpu.memory_space<hbm>>, %arg5: memref<10240x128xf32, #tpu.memory_space<hbm>>, %arg6: memref<2x10240x128xf32, #tpu.memory_space<hbm>>, %arg7: memref<2x128xi32, #tpu.memory_space<vmem>>, %arg8: memref<79x128xi32, #tpu.memory_space<vmem>>, %arg9: memref<2x128x128xf32, #tpu.memory_space<vmem>>, %arg10: memref<10240x128xf32, #tpu.memory_space<vmem_shared>>, %arg11: memref<!tpu.dma_semaphore, #tpu.memory_space<semaphore_mem>>, %arg12: memref<!tpu.dma_semaphore, #tpu.memory_space<semaphore_mem>>, %arg13: memref<!tpu.dma_semaphore, #tpu.memory_space<semaphore_mem>>) attributes {dimension_semantics = [#tpu.dimension_semantics<core_parallel>, #tpu.dimension_semantics<subcore_parallel>], iteration_bounds = array<i64: 2, 16>, scalar_prefetch = 0 : i64, scratch_operands = 7 : i64, tpu.core_type = #tpu.core_type<sc_vector_subcore>, window_params = [{transform_indices = #map}, {transform_indices = #map1}, {transform_indices = #map1}, {transform_indices = #map}, {transform_indices = #map1}]} {
    %mul3A = arith.constant 16 : i32
    %mul3A_0 = arith.muli %arg0, %mul3A : i32
    %add3A = arith.addi %mul3A_0, %arg1 : i32
    "tpu.region"() ({
      %run_scoped3A = tpu.sem_alloc : memref<!tpu.dma_semaphore, #tpu.memory_space<semaphore_mem>>
      %dma_start3A_65 = arith.constant 0 : i32
      %dma_start3A_66 = arith.constant 0 : i32
      %dma_start3A_67 = tpu.memref_slice %arg4[%add3A, %dma_start3A_65, %dma_start3A_66] : memref<32x79x128xi32, #tpu.memory_space<hbm>> -> memref<1x79x128xi32, #tpu.memory_space<hbm>>
      %dma_start3A_68 = tpu.memref_squeeze %dma_start3A_67 : memref<1x79x128xi32, #tpu.memory_space<hbm>> -> memref<79x128xi32, #tpu.memory_space<hbm>>
      %dma_start3A_69 = arith.constant 0 : i32
      %dma_start3A_70 = arith.constant 0 : i32
      %dma_start3A_71 = tpu.memref_slice %arg4[%add3A, %dma_start3A_69, %dma_start3A_70] : memref<32x79x128xi32, #tpu.memory_space<hbm>> -> memref<1x79x128xi32, #tpu.memory_space<hbm>>
      %dma_start3A_72 = tpu.memref_squeeze %dma_start3A_71 : memref<1x79x128xi32, #tpu.memory_space<hbm>> -> memref<79x128xi32, #tpu.memory_space<hbm>>
      tpu.enqueue_dma source(%dma_start3A_72 : memref<79x128xi32, #tpu.memory_space<hbm>>) target(%arg8 : memref<79x128xi32, #tpu.memory_space<vmem>>) target_semaphore(%run_scoped3A : memref<!tpu.dma_semaphore, #tpu.memory_space<semaphore_mem>>)
      %dma_wait3A_73 = arith.constant 0 : i32
      %dma_wait3A_74 = arith.constant 0 : i32
      %dma_wait3A_75 = tpu.memref_slice %arg4[%add3A, %dma_wait3A_73, %dma_wait3A_74] : memref<32x79x128xi32, #tpu.memory_space<hbm>> -> memref<1x79x128xi32, #tpu.memory_space<hbm>>
      %dma_wait3A_76 = tpu.memref_squeeze %dma_wait3A_75 : memref<1x79x128xi32, #tpu.memory_space<hbm>> -> memref<79x128xi32, #tpu.memory_space<hbm>>
      %dma_wait3A_77 = arith.constant 0 : i32
      %dma_wait3A_78 = arith.constant 0 : i32
      %dma_wait3A_79 = tpu.memref_slice %arg4[%add3A, %dma_wait3A_77, %dma_wait3A_78] : memref<32x79x128xi32, #tpu.memory_space<hbm>> -> memref<1x79x128xi32, #tpu.memory_space<hbm>>
      %dma_wait3A_80 = tpu.memref_squeeze %dma_wait3A_79 : memref<1x79x128xi32, #tpu.memory_space<hbm>> -> memref<79x128xi32, #tpu.memory_space<hbm>>
      tpu.wait_dma2 semaphore(%run_scoped3A : memref<!tpu.dma_semaphore, #tpu.memory_space<semaphore_mem>>) src(%dma_wait3A_80 : memref<79x128xi32, #tpu.memory_space<hbm>>) dst(%arg8 : memref<79x128xi32, #tpu.memory_space<vmem>>)
      tpu.yield
    }) : () -> ()
    %eq3A = arith.constant 0 : i32
    %eq3A_1 = arith.cmpi eq, %arg1, %eq3A : i32
    %convert_element_type3A = arith.extui %eq3A_1 : i1 to i32
    %cond3A = arith.constant 0 : i32
    %cond3A_2 = arith.cmpi ne, %convert_element_type3A, %cond3A : i32
    scf.if %cond3A_2 {
      "tpu.region"() ({
        %run_scoped3A = tpu.sem_alloc : memref<!tpu.dma_semaphore, #tpu.memory_space<semaphore_mem>>
        tpu.enqueue_dma source(%arg5 : memref<10240x128xf32, #tpu.memory_space<hbm>>) target(%arg10 : memref<10240x128xf32, #tpu.memory_space<vmem_shared>>) target_semaphore(%run_scoped3A : memref<!tpu.dma_semaphore, #tpu.memory_space<semaphore_mem>>)
        tpu.wait_dma2 semaphore(%run_scoped3A : memref<!tpu.dma_semaphore, #tpu.memory_space<semaphore_mem>>) src(%arg5 : memref<10240x128xf32, #tpu.memory_space<hbm>>) dst(%arg10 : memref<10240x128xf32, #tpu.memory_space<vmem_shared>>)
        tpu.yield
      }) : () -> ()
    } else {
    }
    %barrier3A = arith.constant 0 : index
    tpu.barrier barrier_id(%barrier3A)
    %dma_start3A = arith.constant 0 : i32
    %dma_start3A_3 = arith.constant 0 : i32
    %dma_start3A_4 = arith.constant 0 : i32
    %dma_start3A_5 = tpu.memref_slice %arg7[%dma_start3A_3, %dma_start3A_4] : memref<2x128xi32, #tpu.memory_space<vmem>> -> memref<1x128xi32, #tpu.memory_space<vmem>>
    %dma_start3A_6 = tpu.memref_squeeze %dma_start3A_5 : memref<1x128xi32, #tpu.memory_space<vmem>> -> memref<128xi32, #tpu.memory_space<vmem>>
    %dma_start3A_7 = arith.constant 0 : i32
    %dma_start3A_8 = tpu.memref_slice %arg3[%add3A, %dma_start3A, %dma_start3A_7] : memref<32x79x128xi32, #tpu.memory_space<hbm>> -> memref<1x1x128xi32, #tpu.memory_space<hbm>>
    %dma_start3A_9 = tpu.memref_squeeze %dma_start3A_8 : memref<1x1x128xi32, #tpu.memory_space<hbm>> -> memref<128xi32, #tpu.memory_space<hbm>>
    %dma_start3A_10 = arith.constant 0 : i32
    %dma_start3A_11 = tpu.memref_slice %arg7[%dma_start3A_3, %dma_start3A_10] : memref<2x128xi32, #tpu.memory_space<vmem>> -> memref<1x128xi32, #tpu.memory_space<vmem>>
    %dma_start3A_12 = tpu.memref_squeeze %dma_start3A_11 : memref<1x128xi32, #tpu.memory_space<vmem>> -> memref<128xi32, #tpu.memory_space<vmem>>
    %dma_start3A_13 = arith.constant 0 : i32
    %dma_start3A_14 = tpu.memref_slice %arg3[%add3A, %dma_start3A, %dma_start3A_13] : memref<32x79x128xi32, #tpu.memory_space<hbm>> -> memref<1x1x128xi32, #tpu.memory_space<hbm>>
    %dma_start3A_15 = tpu.memref_squeeze %dma_start3A_14 : memref<1x1x128xi32, #tpu.memory_space<hbm>> -> memref<128xi32, #tpu.memory_space<hbm>>
    tpu.enqueue_dma source(%dma_start3A_15 : memref<128xi32, #tpu.memory_space<hbm>>) target(%dma_start3A_12 : memref<128xi32, #tpu.memory_space<vmem>>) target_semaphore(%arg13 : memref<!tpu.dma_semaphore, #tpu.memory_space<semaphore_mem>>)
    %dma_wait3A = arith.constant 0 : i32
    %dma_wait3A_16 = arith.constant 0 : i32
    %dma_wait3A_17 = arith.constant 0 : i32
    %dma_wait3A_18 = tpu.memref_slice %arg7[%dma_wait3A_16, %dma_wait3A_17] : memref<2x128xi32, #tpu.memory_space<vmem>> -> memref<1x128xi32, #tpu.memory_space<vmem>>
    %dma_wait3A_19 = tpu.memref_squeeze %dma_wait3A_18 : memref<1x128xi32, #tpu.memory_space<vmem>> -> memref<128xi32, #tpu.memory_space<vmem>>
    %dma_wait3A_20 = arith.constant 0 : i32
    %dma_wait3A_21 = tpu.memref_slice %arg3[%add3A, %dma_wait3A, %dma_wait3A_20] : memref<32x79x128xi32, #tpu.memory_space<hbm>> -> memref<1x1x128xi32, #tpu.memory_space<hbm>>
    %dma_wait3A_22 = tpu.memref_squeeze %dma_wait3A_21 : memref<1x1x128xi32, #tpu.memory_space<hbm>> -> memref<128xi32, #tpu.memory_space<hbm>>
    %dma_wait3A_23 = arith.constant 0 : i32
    %dma_wait3A_24 = tpu.memref_slice %arg7[%dma_wait3A_16, %dma_wait3A_23] : memref<2x128xi32, #tpu.memory_space<vmem>> -> memref<1x128xi32, #tpu.memory_space<vmem>>
    %dma_wait3A_25 = tpu.memref_squeeze %dma_wait3A_24 : memref<1x128xi32, #tpu.memory_space<vmem>> -> memref<128xi32, #tpu.memory_space<vmem>>
    %dma_wait3A_26 = arith.constant 0 : i32
    %dma_wait3A_27 = tpu.memref_slice %arg3[%add3A, %dma_wait3A, %dma_wait3A_26] : memref<32x79x128xi32, #tpu.memory_space<hbm>> -> memref<1x1x128xi32, #tpu.memory_space<hbm>>
    %dma_wait3A_28 = tpu.memref_squeeze %dma_wait3A_27 : memref<1x1x128xi32, #tpu.memory_space<hbm>> -> memref<128xi32, #tpu.memory_space<hbm>>
    tpu.wait_dma2 semaphore(%arg13 : memref<!tpu.dma_semaphore, #tpu.memory_space<semaphore_mem>>) src(%dma_wait3A_28 : memref<128xi32, #tpu.memory_space<hbm>>) dst(%dma_wait3A_25 : memref<128xi32, #tpu.memory_space<vmem>>)
    %dma_start3A_29 = arith.constant 0 : i32
    %dma_start3A_30 = arith.constant 0 : i32
    %dma_start3A_31 = arith.constant 0 : i32
    %dma_start3A_32 = arith.constant 0 : i32
    %dma_start3A_33 = tpu.memref_slice %arg9[%dma_start3A_30, %dma_start3A_31, %dma_start3A_32] : memref<2x128x128xf32, #tpu.memory_space<vmem>> -> memref<1x128x128xf32, #tpu.memory_space<vmem>>
    %dma_start3A_34 = tpu.memref_squeeze %dma_start3A_33 : memref<1x128x128xf32, #tpu.memory_space<vmem>> -> memref<128x128xf32, #tpu.memory_space<vmem>>
    %dma_start3A_35 = arith.constant 0 : i32
    %dma_start3A_36 = tpu.memref_slice %arg7[%dma_start3A_29, %dma_start3A_35] : memref<2x128xi32, #tpu.memory_space<vmem>> -> memref<1x128xi32, #tpu.memory_space<vmem>>
    %dma_start3A_37 = tpu.memref_squeeze %dma_start3A_36 : memref<1x128xi32, #tpu.memory_space<vmem>> -> memref<128xi32, #tpu.memory_space<vmem>>
    %dma_start3A_38 = arith.constant 0 : i32
    %dma_start3A_39 = arith.constant 0 : i32
    %dma_start3A_40 = tpu.memref_slice %arg2[%dma_start3A_38, %dma_start3A_39] : memref<10240x128xf32, #tpu.memory_space<hbm>> -> memref<10240x128xf32, #tpu.memory_space<hbm>>
    tpu.enqueue_indirect_dma source(%dma_start3A_40 : memref<10240x128xf32, #tpu.memory_space<hbm>>) target(%dma_start3A_34 : memref<128x128xf32, #tpu.memory_space<vmem>>) offsets(%dma_start3A_37 : memref<128xi32, #tpu.memory_space<vmem>>) semaphore(%arg11 : memref<!tpu.dma_semaphore, #tpu.memory_space<semaphore_mem>>)
    %scan3A = arith.constant 0 : i32
    %scan3A_41 = arith.constant 0 : i32
    %scan3A_42 = arith.constant 79 : i32
    %scan3A_43 = arith.addi %scan3A_41, %scan3A_42 : i32
    %scan3A_44 = arith.constant 1 : i32
    scf.for %scan3A_65 = %scan3A_41 to %scan3A_43 step %scan3A_44  : i32 {
      %rem3A_66 = arith.constant 2 : i32
      %rem3A_67 = arith.remsi %scan3A_65, %rem3A_66 : i32
      %add3A_68 = arith.constant 1 : i32
      %add3A_69 = arith.addi %scan3A_65, %add3A_68 : i32
      %rem3A_70 = arith.constant 2 : i32
      %rem3A_71 = arith.remsi %add3A_69, %rem3A_70 : i32
      %add3A_72 = arith.constant 1 : i32
      %add3A_73 = arith.addi %scan3A_65, %add3A_72 : i32
      %lt3A = arith.constant 79 : i32
      %lt3A_74 = arith.cmpi slt, %add3A_73, %lt3A : i32
      %convert_element_type3A_75 = arith.extui %lt3A_74 : i1 to i32
      %cond3A_76 = arith.constant 0 : i32
      %cond3A_77 = arith.cmpi ne, %convert_element_type3A_75, %cond3A_76 : i32
      scf.if %cond3A_77 {
        %add3A_109 = arith.constant 1 : i32
        %add3A_110 = arith.addi %scan3A_65, %add3A_109 : i32
        %dma_start3A_111 = arith.constant 0 : i32
        %dma_start3A_112 = tpu.memref_slice %arg7[%rem3A_71, %dma_start3A_111] : memref<2x128xi32, #tpu.memory_space<vmem>> -> memref<1x128xi32, #tpu.memory_space<vmem>>
        %dma_start3A_113 = tpu.memref_squeeze %dma_start3A_112 : memref<1x128xi32, #tpu.memory_space<vmem>> -> memref<128xi32, #tpu.memory_space<vmem>>
        %dma_start3A_114 = arith.constant 0 : i32
        %dma_start3A_115 = tpu.memref_slice %arg3[%add3A, %add3A_110, %dma_start3A_114] : memref<32x79x128xi32, #tpu.memory_space<hbm>> -> memref<1x1x128xi32, #tpu.memory_space<hbm>>
        %dma_start3A_116 = tpu.memref_squeeze %dma_start3A_115 : memref<1x1x128xi32, #tpu.memory_space<hbm>> -> memref<128xi32, #tpu.memory_space<hbm>>
        %dma_start3A_117 = arith.constant 0 : i32
        %dma_start3A_118 = tpu.memref_slice %arg7[%rem3A_71, %dma_start3A_117] : memref<2x128xi32, #tpu.memory_space<vmem>> -> memref<1x128xi32, #tpu.memory_space<vmem>>
        %dma_start3A_119 = tpu.memref_squeeze %dma_start3A_118 : memref<1x128xi32, #tpu.memory_space<vmem>> -> memref<128xi32, #tpu.memory_space<vmem>>
        %dma_start3A_120 = arith.constant 0 : i32
        %dma_start3A_121 = tpu.memref_slice %arg3[%add3A, %add3A_110, %dma_start3A_120] : memref<32x79x128xi32, #tpu.memory_space<hbm>> -> memref<1x1x128xi32, #tpu.memory_space<hbm>>
        %dma_start3A_122 = tpu.memref_squeeze %dma_start3A_121 : memref<1x1x128xi32, #tpu.memory_space<hbm>> -> memref<128xi32, #tpu.memory_space<hbm>>
        tpu.enqueue_dma source(%dma_start3A_122 : memref<128xi32, #tpu.memory_space<hbm>>) target(%dma_start3A_119 : memref<128xi32, #tpu.memory_space<vmem>>) target_semaphore(%arg13 : memref<!tpu.dma_semaphore, #tpu.memory_space<semaphore_mem>>)
      } else {
      }
      %dma_wait3A_78 = arith.constant 0 : i32
      %dma_wait3A_79 = arith.constant 0 : i32
      %dma_wait3A_80 = tpu.memref_slice %arg9[%rem3A_67, %dma_wait3A_78, %dma_wait3A_79] : memref<2x128x128xf32, #tpu.memory_space<vmem>> -> memref<1x128x128xf32, #tpu.memory_space<vmem>>
      %dma_wait3A_81 = tpu.memref_squeeze %dma_wait3A_80 : memref<1x128x128xf32, #tpu.memory_space<vmem>> -> memref<128x128xf32, #tpu.memory_space<vmem>>
      %dma_wait3A_82 = arith.constant 0 : i32
      %dma_wait3A_83 = tpu.memref_slice %arg7[%rem3A_67, %dma_wait3A_82] : memref<2x128xi32, #tpu.memory_space<vmem>> -> memref<1x128xi32, #tpu.memory_space<vmem>>
      %dma_wait3A_84 = tpu.memref_squeeze %dma_wait3A_83 : memref<1x128xi32, #tpu.memory_space<vmem>> -> memref<128xi32, #tpu.memory_space<vmem>>
      %dma_wait3A_85 = arith.constant 0 : i32
      %dma_wait3A_86 = arith.constant 0 : i32
      %dma_wait3A_87 = tpu.memref_slice %arg2[%dma_wait3A_85, %dma_wait3A_86] : memref<10240x128xf32, #tpu.memory_space<hbm>> -> memref<10240x128xf32, #tpu.memory_space<hbm>>
      tpu.wait_indirect_dma semaphore(%arg11 : memref<!tpu.dma_semaphore, #tpu.memory_space<semaphore_mem>>) src(%dma_wait3A_87 : memref<10240x128xf32, #tpu.memory_space<hbm>>) dst(%dma_wait3A_81 : memref<128x128xf32, #tpu.memory_space<vmem>>)
      %ge3A = arith.constant 1 : i32
      %ge3A_88 = arith.cmpi sge, %scan3A_65, %ge3A : i32
      %convert_element_type3A_89 = arith.extui %ge3A_88 : i1 to i32
      %cond3A_90 = arith.constant 0 : i32
      %cond3A_91 = arith.cmpi ne, %convert_element_type3A_89, %cond3A_90 : i32
      scf.if %cond3A_91 {
        %sub3A = arith.constant 1 : i32
        %sub3A_109 = arith.subi %scan3A_65, %sub3A : i32
        %dma_wait3A_110 = arith.constant 0 : i32
        %dma_wait3A_111 = arith.constant 0 : i32
        %dma_wait3A_112 = tpu.memref_slice %arg9[%rem3A_71, %dma_wait3A_110, %dma_wait3A_111] : memref<2x128x128xf32, #tpu.memory_space<vmem>> -> memref<1x128x128xf32, #tpu.memory_space<vmem>>
        %dma_wait3A_113 = tpu.memref_squeeze %dma_wait3A_112 : memref<1x128x128xf32, #tpu.memory_space<vmem>> -> memref<128x128xf32, #tpu.memory_space<vmem>>
        %dma_wait3A_114 = arith.constant 0 : i32
        %dma_wait3A_115 = tpu.memref_slice %arg8[%sub3A_109, %dma_wait3A_114] : memref<79x128xi32, #tpu.memory_space<vmem>> -> memref<1x128xi32, #tpu.memory_space<vmem>>
        %dma_wait3A_116 = tpu.memref_squeeze %dma_wait3A_115 : memref<1x128xi32, #tpu.memory_space<vmem>> -> memref<128xi32, #tpu.memory_space<vmem>>
        %dma_wait3A_117 = arith.constant 0 : i32
        %dma_wait3A_118 = arith.constant 0 : i32
        %dma_wait3A_119 = tpu.memref_slice %arg10[%dma_wait3A_117, %dma_wait3A_118] : memref<10240x128xf32, #tpu.memory_space<vmem_shared>> -> memref<10240x128xf32, #tpu.memory_space<vmem_shared>>
        tpu.wait_indirect_dma semaphore(%arg12 : memref<!tpu.dma_semaphore, #tpu.memory_space<semaphore_mem>>) src(%dma_wait3A_113 : memref<128x128xf32, #tpu.memory_space<vmem>>) dst(%dma_wait3A_119 : memref<10240x128xf32, #tpu.memory_space<vmem_shared>>)
      } else {
      }
      %add3A_92 = arith.constant 1 : i32
      %add3A_93 = arith.addi %scan3A_65, %add3A_92 : i32
      %lt3A_94 = arith.constant 79 : i32
      %lt3A_95 = arith.cmpi slt, %add3A_93, %lt3A_94 : i32
      %convert_element_type3A_96 = arith.extui %lt3A_95 : i1 to i32
      %cond3A_97 = arith.constant 0 : i32
      %cond3A_98 = arith.cmpi ne, %convert_element_type3A_96, %cond3A_97 : i32
      scf.if %cond3A_98 {
        %add3A_109 = arith.constant 1 : i32
        %add3A_110 = arith.addi %scan3A_65, %add3A_109 : i32
        %dma_wait3A_111 = arith.constant 0 : i32
        %dma_wait3A_112 = tpu.memref_slice %arg7[%rem3A_71, %dma_wait3A_111] : memref<2x128xi32, #tpu.memory_space<vmem>> -> memref<1x128xi32, #tpu.memory_space<vmem>>
        %dma_wait3A_113 = tpu.memref_squeeze %dma_wait3A_112 : memref<1x128xi32, #tpu.memory_space<vmem>> -> memref<128xi32, #tpu.memory_space<vmem>>
        %dma_wait3A_114 = arith.constant 0 : i32
        %dma_wait3A_115 = tpu.memref_slice %arg3[%add3A, %add3A_110, %dma_wait3A_114] : memref<32x79x128xi32, #tpu.memory_space<hbm>> -> memref<1x1x128xi32, #tpu.memory_space<hbm>>
        %dma_wait3A_116 = tpu.memref_squeeze %dma_wait3A_115 : memref<1x1x128xi32, #tpu.memory_space<hbm>> -> memref<128xi32, #tpu.memory_space<hbm>>
        %dma_wait3A_117 = arith.constant 0 : i32
        %dma_wait3A_118 = tpu.memref_slice %arg7[%rem3A_71, %dma_wait3A_117] : memref<2x128xi32, #tpu.memory_space<vmem>> -> memref<1x128xi32, #tpu.memory_space<vmem>>
        %dma_wait3A_119 = tpu.memref_squeeze %dma_wait3A_118 : memref<1x128xi32, #tpu.memory_space<vmem>> -> memref<128xi32, #tpu.memory_space<vmem>>
        %dma_wait3A_120 = arith.constant 0 : i32
        %dma_wait3A_121 = tpu.memref_slice %arg3[%add3A, %add3A_110, %dma_wait3A_120] : memref<32x79x128xi32, #tpu.memory_space<hbm>> -> memref<1x1x128xi32, #tpu.memory_space<hbm>>
        %dma_wait3A_122 = tpu.memref_squeeze %dma_wait3A_121 : memref<1x1x128xi32, #tpu.memory_space<hbm>> -> memref<128xi32, #tpu.memory_space<hbm>>
        tpu.wait_dma2 semaphore(%arg13 : memref<!tpu.dma_semaphore, #tpu.memory_space<semaphore_mem>>) src(%dma_wait3A_122 : memref<128xi32, #tpu.memory_space<hbm>>) dst(%dma_wait3A_119 : memref<128xi32, #tpu.memory_space<vmem>>)
        %dma_start3A_123 = arith.constant 0 : i32
        %dma_start3A_124 = arith.constant 0 : i32
        %dma_start3A_125 = tpu.memref_slice %arg9[%rem3A_71, %dma_start3A_123, %dma_start3A_124] : memref<2x128x128xf32, #tpu.memory_space<vmem>> -> memref<1x128x128xf32, #tpu.memory_space<vmem>>
        %dma_start3A_126 = tpu.memref_squeeze %dma_start3A_125 : memref<1x128x128xf32, #tpu.memory_space<vmem>> -> memref<128x128xf32, #tpu.memory_space<vmem>>
        %dma_start3A_127 = arith.constant 0 : i32
        %dma_start3A_128 = tpu.memref_slice %arg7[%rem3A_71, %dma_start3A_127] : memref<2x128xi32, #tpu.memory_space<vmem>> -> memref<1x128xi32, #tpu.memory_space<vmem>>
        %dma_start3A_129 = tpu.memref_squeeze %dma_start3A_128 : memref<1x128xi32, #tpu.memory_space<vmem>> -> memref<128xi32, #tpu.memory_space<vmem>>
        %dma_start3A_130 = arith.constant 0 : i32
        %dma_start3A_131 = arith.constant 0 : i32
        %dma_start3A_132 = tpu.memref_slice %arg2[%dma_start3A_130, %dma_start3A_131] : memref<10240x128xf32, #tpu.memory_space<hbm>> -> memref<10240x128xf32, #tpu.memory_space<hbm>>
        tpu.enqueue_indirect_dma source(%dma_start3A_132 : memref<10240x128xf32, #tpu.memory_space<hbm>>) target(%dma_start3A_126 : memref<128x128xf32, #tpu.memory_space<vmem>>) offsets(%dma_start3A_129 : memref<128xi32, #tpu.memory_space<vmem>>) semaphore(%arg11 : memref<!tpu.dma_semaphore, #tpu.memory_space<semaphore_mem>>)
      } else {
      }
      %dma_start3A_99 = arith.constant 0 : i32
      %dma_start3A_100 = arith.constant 0 : i32
      %dma_start3A_101 = tpu.memref_slice %arg9[%rem3A_67, %dma_start3A_99, %dma_start3A_100] : memref<2x128x128xf32, #tpu.memory_space<vmem>> -> memref<1x128x128xf32, #tpu.memory_space<vmem>>
      %dma_start3A_102 = tpu.memref_squeeze %dma_start3A_101 : memref<1x128x128xf32, #tpu.memory_space<vmem>> -> memref<128x128xf32, #tpu.memory_space<vmem>>
      %dma_start3A_103 = arith.constant 0 : i32
      %dma_start3A_104 = tpu.memref_slice %arg8[%scan3A_65, %dma_start3A_103] : memref<79x128xi32, #tpu.memory_space<vmem>> -> memref<1x128xi32, #tpu.memory_space<vmem>>
      %dma_start3A_105 = tpu.memref_squeeze %dma_start3A_104 : memref<1x128xi32, #tpu.memory_space<vmem>> -> memref<128xi32, #tpu.memory_space<vmem>>
      %dma_start3A_106 = arith.constant 0 : i32
      %dma_start3A_107 = arith.constant 0 : i32
      %dma_start3A_108 = tpu.memref_slice %arg10[%dma_start3A_106, %dma_start3A_107] : memref<10240x128xf32, #tpu.memory_space<vmem_shared>> -> memref<10240x128xf32, #tpu.memory_space<vmem_shared>>
      tpu.enqueue_indirect_dma source(%dma_start3A_102 : memref<128x128xf32, #tpu.memory_space<vmem>>) target(%dma_start3A_108 : memref<10240x128xf32, #tpu.memory_space<vmem_shared>>) offsets(%dma_start3A_105 : memref<128xi32, #tpu.memory_space<vmem>>) semaphore(%arg12 : memref<!tpu.dma_semaphore, #tpu.memory_space<semaphore_mem>>) {add = true}
    }
    %scan3A_45 = arith.constant 79 : i32
    %rem3A = arith.constant 78 : i32
    %rem3A_46 = arith.constant 2 : i32
    %rem3A_47 = arith.remsi %rem3A, %rem3A_46 : i32
    %dma_wait3A_48 = arith.constant 78 : i32
    %dma_wait3A_49 = arith.constant 0 : i32
    %dma_wait3A_50 = arith.constant 0 : i32
    %dma_wait3A_51 = tpu.memref_slice %arg9[%rem3A_47, %dma_wait3A_49, %dma_wait3A_50] : memref<2x128x128xf32, #tpu.memory_space<vmem>> -> memref<1x128x128xf32, #tpu.memory_space<vmem>>
    %dma_wait3A_52 = tpu.memref_squeeze %dma_wait3A_51 : memref<1x128x128xf32, #tpu.memory_space<vmem>> -> memref<128x128xf32, #tpu.memory_space<vmem>>
    %dma_wait3A_53 = arith.constant 0 : i32
    %dma_wait3A_54 = tpu.memref_slice %arg8[%dma_wait3A_48, %dma_wait3A_53] : memref<79x128xi32, #tpu.memory_space<vmem>> -> memref<1x128xi32, #tpu.memory_space<vmem>>
    %dma_wait3A_55 = tpu.memref_squeeze %dma_wait3A_54 : memref<1x128xi32, #tpu.memory_space<vmem>> -> memref<128xi32, #tpu.memory_space<vmem>>
    %dma_wait3A_56 = arith.constant 0 : i32
    %dma_wait3A_57 = arith.constant 0 : i32
    %dma_wait3A_58 = tpu.memref_slice %arg10[%dma_wait3A_56, %dma_wait3A_57] : memref<10240x128xf32, #tpu.memory_space<vmem_shared>> -> memref<10240x128xf32, #tpu.memory_space<vmem_shared>>
    tpu.wait_indirect_dma semaphore(%arg12 : memref<!tpu.dma_semaphore, #tpu.memory_space<semaphore_mem>>) src(%dma_wait3A_52 : memref<128x128xf32, #tpu.memory_space<vmem>>) dst(%dma_wait3A_58 : memref<10240x128xf32, #tpu.memory_space<vmem_shared>>)
    %barrier3A_59 = arith.constant 0 : index
    tpu.barrier barrier_id(%barrier3A_59)
    %eq3A_60 = arith.constant 0 : i32
    %eq3A_61 = arith.cmpi eq, %arg1, %eq3A_60 : i32
    %convert_element_type3A_62 = arith.extui %eq3A_61 : i1 to i32
    %cond3A_63 = arith.constant 0 : i32
    %cond3A_64 = arith.cmpi ne, %convert_element_type3A_62, %cond3A_63 : i32
    scf.if %cond3A_64 {
      "tpu.region"() ({
        %run_scoped3A = tpu.sem_alloc : memref<!tpu.dma_semaphore, #tpu.memory_space<semaphore_mem>>
        %dma_start3A_65 = arith.constant 0 : i32
        %dma_start3A_66 = arith.constant 0 : i32
        %dma_start3A_67 = tpu.memref_slice %arg6[%arg0, %dma_start3A_65, %dma_start3A_66] : memref<2x10240x128xf32, #tpu.memory_space<hbm>> -> memref<1x10240x128xf32, #tpu.memory_space<hbm>>
        %dma_start3A_68 = tpu.memref_squeeze %dma_start3A_67 : memref<1x10240x128xf32, #tpu.memory_space<hbm>> -> memref<10240x128xf32, #tpu.memory_space<hbm>>
        tpu.enqueue_dma source(%arg10 : memref<10240x128xf32, #tpu.memory_space<vmem_shared>>) target(%dma_start3A_68 : memref<10240x128xf32, #tpu.memory_space<hbm>>) target_semaphore(%run_scoped3A : memref<!tpu.dma_semaphore, #tpu.memory_space<semaphore_mem>>)
        %dma_wait3A_69 = arith.constant 0 : i32
        %dma_wait3A_70 = arith.constant 0 : i32
        %dma_wait3A_71 = tpu.memref_slice %arg6[%arg0, %dma_wait3A_69, %dma_wait3A_70] : memref<2x10240x128xf32, #tpu.memory_space<hbm>> -> memref<1x10240x128xf32, #tpu.memory_space<hbm>>
        %dma_wait3A_72 = tpu.memref_squeeze %dma_wait3A_71 : memref<1x10240x128xf32, #tpu.memory_space<hbm>> -> memref<10240x128xf32, #tpu.memory_space<hbm>>
        tpu.wait_dma2 semaphore(%run_scoped3A : memref<!tpu.dma_semaphore, #tpu.memory_space<semaphore_mem>>) src(%arg10 : memref<10240x128xf32, #tpu.memory_space<vmem_shared>>) dst(%dma_wait3A_72 : memref<10240x128xf32, #tpu.memory_space<hbm>>)
        tpu.yield
      }) : () -> ()
    } else {
    }
    return
  }
}

module attributes {stable_mosaic.version = 14 : i64} {
  func.func @body(%arg0: i32, %arg1: memref<512x128xf32, #tpu.memory_space<vmem>>, %arg2: memref<2x512x128xf32, #tpu.memory_space<vmem>>, %arg3: memref<128x128xf32, #tpu.memory_space<vmem>>, %arg4: memref<512x128xf32, #tpu.memory_space<vmem>>, %arg5: memref<512x1xf32, #tpu.memory_space<vmem>>) attributes {dimension_semantics = [#tpu.dimension_semantics<arbitrary>], iteration_bounds = array<i64: 20>, scalar_prefetch = 0 : i64, scratch_operands = 0 : i64, tpu.core_type = #tpu.core_type<tc>, window_params = [{transform_indices = @transform_0, window_bounds = array<i64: 512, 128>}, {transform_indices = @transform_1, window_bounds = array<i64: 2, 512, 128>}, {pipeline_mode = #tpu.pipeline_mode<synchronous>, transform_indices = @transform_2, window_bounds = array<i64: 128, 128>}, {transform_indices = @transform_3, window_bounds = array<i64: 512, 128>}, {transform_indices = @transform_4, window_bounds = array<i64: 512, 1>}]} {
    %mul3A = arith.constant 512 : i32
    %mul3A_0 = arith.muli %arg0, %mul3A : i32
    %iota3A = tpu.iota {dimensions = array<i32: 0>} : vector<512x1xi32>
    %add3A = vector.broadcast %mul3A_0 : i32 to vector<512x1xi32>
    %add3A_1 = arith.addi %add3A, %iota3A : vector<512x1xi32>
    %get3A = arith.constant 0 : index
    %get3A_2 = arith.constant 0 : index
    %get3A_3 = arith.constant 0 : index
    %get3A_4 = vector.load %arg2[%get3A, %get3A_2, %get3A_3] : memref<2x512x128xf32, #tpu.memory_space<vmem>>, vector<1x512x1xf32>
    %get3A_5 = vector.shape_cast %get3A_4 : vector<1x512x1xf32> to vector<512x1xf32>
    %get3A_6 = arith.constant 1 : index
    %get3A_7 = arith.constant 0 : index
    %get3A_8 = arith.constant 0 : index
    %get3A_9 = vector.load %arg2[%get3A_6, %get3A_7, %get3A_8] : memref<2x512x128xf32, #tpu.memory_space<vmem>>, vector<1x512x1xf32>
    %get3A_10 = vector.shape_cast %get3A_9 : vector<1x512x1xf32> to vector<512x1xf32>
    %add3A_11 = arith.addf %get3A_5, %get3A_10 : vector<512x1xf32>
    %add3A_12 = arith.constant 1.000000e+00 : f32
    %add3A_13 = vector.broadcast %add3A_12 : f32 to vector<512x1xf32>
    %add3A_14 = arith.addf %add3A_11, %add3A_13 : vector<512x1xf32>
    %lt3A = arith.constant 10000 : i32
    %lt3A_15 = vector.broadcast %lt3A : i32 to vector<512x1xi32>
    %lt3A_16 = arith.cmpi slt, %add3A_1, %lt3A_15 : vector<512x1xi32>
    %rsqrt3A = math.rsqrt %add3A_14 : vector<512x1xf32>
    %jit3A = arith.constant 0.000000e+00 : f32
    %broadcast_in_dim3A = vector.broadcast %jit3A : f32 to vector<512x1xf32>
    %select_n3A = arith.select %lt3A_16, %rsqrt3A, %broadcast_in_dim3A : vector<512x1xi1>, vector<512x1xf32>
    %swap3A = arith.constant 0 : index
    %swap3A_17 = arith.constant 0 : index
    %swap3A_18 = vector.load %arg5[%swap3A, %swap3A_17] : memref<512x1xf32, #tpu.memory_space<vmem>>, vector<512x1xf32>
    tpu.vector_store %arg5[%swap3A, %swap3A_17], %select_n3A {strides = array<i32>} : memref<512x1xf32, #tpu.memory_space<vmem>>, vector<512x1xf32>,
    %get3A_19 = arith.constant 0 : index
    %get3A_20 = arith.constant 0 : index
    %get3A_21 = vector.load %arg1[%get3A_19, %get3A_20] : memref<512x128xf32, #tpu.memory_space<vmem>>, vector<512x128xf32>
    %get3A_22 = arith.constant 0 : index
    %get3A_23 = arith.constant 0 : index
    %get3A_24 = vector.load %arg3[%get3A_22, %get3A_23] : memref<128x128xf32, #tpu.memory_space<vmem>>, vector<128x128xf32>
    %dot_general3A = arith.constant dense<0.000000e+00> : vector<512x128xf32>
    %dot_general3A_25 = tpu.matmul %get3A_21, %get3A_24, %dot_general3A {dimension_numbers = #tpu.dot_dimension_numbers<[1], [0], [0], [1], [0, 0, 1, 1], [], []>, transpose_lhs_hint = false} : vector<512x128xf32>, vector<128x128xf32>, vector<512x128xf32> -> vector<512x128xf32>
    %mul3A_26 = vector.broadcast %select_n3A : vector<512x1xf32> to vector<512x128xf32>
    %mul3A_27 = arith.mulf %mul3A_26, %dot_general3A_25 : vector<512x128xf32>
    %swap3A_28 = arith.constant 0 : index
    %swap3A_29 = arith.constant 0 : index
    %swap3A_30 = vector.load %arg4[%swap3A_28, %swap3A_29] : memref<512x128xf32, #tpu.memory_space<vmem>>, vector<512x128xf32>
    tpu.vector_store %arg4[%swap3A_28, %swap3A_29], %mul3A_27 {strides = array<i32>} : memref<512x128xf32, #tpu.memory_space<vmem>>, vector<512x128xf32>,
    return
  }
  func.func @transform_0(%arg0: i32) -> (i32, i32) {
    %c0_i32 = arith.constant 0 : i32
    %c0_i32_0 = arith.constant 0 : i32
    return %arg0, %c0_i32 : i32, i32
  }
  func.func @transform_1(%arg0: i32) -> (i32, i32, i32) {
    %c0_i32 = arith.constant 0 : i32
    %c0_i32_0 = arith.constant 0 : i32
    %c0_i32_1 = arith.constant 0 : i32
    return %c0_i32, %arg0, %c0_i32_0 : i32, i32, i32
  }
  func.func @transform_2(%arg0: i32) -> (i32, i32) {
    %c0_i32 = arith.constant 0 : i32
    %c0_i32_0 = arith.constant 0 : i32
    %c0_i32_1 = arith.constant 0 : i32
    return %c0_i32, %c0_i32_0 : i32, i32
  }
  func.func @transform_3(%arg0: i32) -> (i32, i32) {
    %c0_i32 = arith.constant 0 : i32
    %c0_i32_0 = arith.constant 0 : i32
    return %arg0, %c0_i32 : i32, i32
  }
  func.func @transform_4(%arg0: i32) -> (i32, i32) {
    %c0_i32 = arith.constant 0 : i32
    %c0_i32_0 = arith.constant 0 : i32
    return %arg0, %c0_i32 : i32, i32
  }
}

module attributes {stable_mosaic.version = 14 : i64} {
  func.func @body(%arg0: i32, %arg1: memref<2x512x128xf32, #tpu.memory_space<vmem>>, %arg2: memref<512x128xf32, #tpu.memory_space<vmem>>, %arg3: memref<512x1xf32, #tpu.memory_space<vmem>>, %arg4: memref<1x128xf32, #tpu.memory_space<vmem>>, %arg5: memref<128x128xf32, #tpu.memory_space<vmem>>, %arg6: memref<512x128xf32, #tpu.memory_space<vmem>>) attributes {dimension_semantics = [#tpu.dimension_semantics<arbitrary>], iteration_bounds = array<i64: 20>, scalar_prefetch = 0 : i64, scratch_operands = 0 : i64, tpu.core_type = #tpu.core_type<tc>, window_params = [{transform_indices = @transform_0, window_bounds = array<i64: 2, 512, 128>}, {transform_indices = @transform_1, window_bounds = array<i64: 512, 128>}, {transform_indices = @transform_2, window_bounds = array<i64: 512, 1>}, {pipeline_mode = #tpu.pipeline_mode<synchronous>, transform_indices = @transform_3, window_bounds = array<i64: 1, 128>}, {pipeline_mode = #tpu.pipeline_mode<synchronous>, transform_indices = @transform_4, window_bounds = array<i64: 128, 128>}, {transform_indices = @transform_5, window_bounds = array<i64: 512, 128>}]} {
    %get3A = arith.constant 0 : index
    %get3A_0 = arith.constant 0 : index
    %get3A_1 = vector.load %arg3[%get3A, %get3A_0] : memref<512x1xf32, #tpu.memory_space<vmem>>, vector<512x1xf32>
    %get3A_2 = arith.constant 0 : index
    %get3A_3 = arith.constant 0 : index
    %get3A_4 = arith.constant 0 : index
    %get3A_5 = vector.load %arg1[%get3A_2, %get3A_3, %get3A_4] : memref<2x512x128xf32, #tpu.memory_space<vmem>>, vector<1x512x128xf32>
    %get3A_6 = vector.shape_cast %get3A_5 : vector<1x512x128xf32> to vector<512x128xf32>
    %get3A_7 = arith.constant 1 : index
    %get3A_8 = arith.constant 0 : index
    %get3A_9 = arith.constant 0 : index
    %get3A_10 = vector.load %arg1[%get3A_7, %get3A_8, %get3A_9] : memref<2x512x128xf32, #tpu.memory_space<vmem>>, vector<1x512x128xf32>
    %get3A_11 = vector.shape_cast %get3A_10 : vector<1x512x128xf32> to vector<512x128xf32>
    %add3A = arith.addf %get3A_6, %get3A_11 : vector<512x128xf32>
    %get3A_12 = arith.constant 0 : index
    %get3A_13 = arith.constant 0 : index
    %get3A_14 = vector.load %arg2[%get3A_12, %get3A_13] : memref<512x128xf32, #tpu.memory_space<vmem>>, vector<512x128xf32>
    %add3A_15 = arith.addf %add3A, %get3A_14 : vector<512x128xf32>
    %mul3A = vector.broadcast %get3A_1 : vector<512x1xf32> to vector<512x128xf32>
    %mul3A_16 = arith.mulf %mul3A, %add3A_15 : vector<512x128xf32>
    %get3A_17 = arith.constant 0 : index
    %get3A_18 = arith.constant 0 : index
    %get3A_19 = vector.load %arg4[%get3A_17, %get3A_18] : memref<1x128xf32, #tpu.memory_space<vmem>>, vector<1x128xf32>
    %add3A_20 = vector.broadcast %get3A_19 : vector<1x128xf32> to vector<512x128xf32>
    %add3A_21 = arith.addf %mul3A_16, %add3A_20 : vector<512x128xf32>
    %max3A = arith.constant 0.000000e+00 : f32
    %max3A_22 = vector.broadcast %max3A : f32 to vector<512x128xf32>
    %max3A_23 = arith.maximumf %add3A_21, %max3A_22 : vector<512x128xf32>
    %get3A_24 = arith.constant 0 : index
    %get3A_25 = arith.constant 0 : index
    %get3A_26 = vector.load %arg5[%get3A_24, %get3A_25] : memref<128x128xf32, #tpu.memory_space<vmem>>, vector<128x128xf32>
    %dot_general3A = arith.constant dense<0.000000e+00> : vector<512x128xf32>
    %dot_general3A_27 = tpu.matmul %max3A_23, %get3A_26, %dot_general3A {dimension_numbers = #tpu.dot_dimension_numbers<[1], [0], [0], [1], [0, 0, 1, 1], [], []>, transpose_lhs_hint = false} : vector<512x128xf32>, vector<128x128xf32>, vector<512x128xf32> -> vector<512x128xf32>
    %mul3A_28 = vector.broadcast %get3A_1 : vector<512x1xf32> to vector<512x128xf32>
    %mul3A_29 = arith.mulf %mul3A_28, %dot_general3A_27 : vector<512x128xf32>
    %swap3A = arith.constant 0 : index
    %swap3A_30 = arith.constant 0 : index
    %swap3A_31 = vector.load %arg6[%swap3A, %swap3A_30] : memref<512x128xf32, #tpu.memory_space<vmem>>, vector<512x128xf32>
    tpu.vector_store %arg6[%swap3A, %swap3A_30], %mul3A_29 {strides = array<i32>} : memref<512x128xf32, #tpu.memory_space<vmem>>, vector<512x128xf32>,
    return
  }
  func.func @transform_0(%arg0: i32) -> (i32, i32, i32) {
    %c0_i32 = arith.constant 0 : i32
    %c0_i32_0 = arith.constant 0 : i32
    %c0_i32_1 = arith.constant 0 : i32
    return %c0_i32, %arg0, %c0_i32_0 : i32, i32, i32
  }
  func.func @transform_1(%arg0: i32) -> (i32, i32) {
    %c0_i32 = arith.constant 0 : i32
    %c0_i32_0 = arith.constant 0 : i32
    return %arg0, %c0_i32 : i32, i32
  }
  func.func @transform_2(%arg0: i32) -> (i32, i32) {
    %c0_i32 = arith.constant 0 : i32
    %c0_i32_0 = arith.constant 0 : i32
    return %arg0, %c0_i32 : i32, i32
  }
  func.func @transform_3(%arg0: i32) -> (i32, i32) {
    %c0_i32 = arith.constant 0 : i32
    %c0_i32_0 = arith.constant 0 : i32
    %c0_i32_1 = arith.constant 0 : i32
    return %c0_i32, %c0_i32_0 : i32, i32
  }
  func.func @transform_4(%arg0: i32) -> (i32, i32) {
    %c0_i32 = arith.constant 0 : i32
    %c0_i32_0 = arith.constant 0 : i32
    %c0_i32_1 = arith.constant 0 : i32
    return %c0_i32, %c0_i32_0 : i32, i32
  }
  func.func @transform_5(%arg0: i32) -> (i32, i32) {
    %c0_i32 = arith.constant 0 : i32
    %c0_i32_0 = arith.constant 0 : i32
    return %arg0, %c0_i32 : i32, i32
  }
}

module attributes {stable_mosaic.version = 14 : i64} {
  func.func @body(%arg0: i32, %arg1: memref<2x512x128xf32, #tpu.memory_space<vmem>>, %arg2: memref<512x128xf32, #tpu.memory_space<vmem>>, %arg3: memref<512x1xf32, #tpu.memory_space<vmem>>, %arg4: memref<1x128xf32, #tpu.memory_space<vmem>>, %arg5: memref<512x1xi32, #tpu.memory_space<vmem>>, %arg6: memref<128x64xf32, #tpu.memory_space<vmem>>, %arg7: memref<1x64xf32, #tpu.memory_space<vmem>>, %arg8: memref<64x64xf32, #tpu.memory_space<vmem>>, %arg9: memref<64x128xf32, #tpu.memory_space<vmem>>, %arg10: memref<64x128xf32, #tpu.memory_space<vmem>>) attributes {dimension_semantics = [#tpu.dimension_semantics<arbitrary>], iteration_bounds = array<i64: 20>, scalar_prefetch = 0 : i64, scratch_operands = 2 : i64, tpu.core_type = #tpu.core_type<tc>, window_params = [{transform_indices = @transform_0, window_bounds = array<i64: 2, 512, 128>}, {transform_indices = @transform_1, window_bounds = array<i64: 512, 128>}, {transform_indices = @transform_2, window_bounds = array<i64: 512, 1>}, {pipeline_mode = #tpu.pipeline_mode<synchronous>, transform_indices = @transform_3, window_bounds = array<i64: 1, 128>}, {transform_indices = @transform_4, window_bounds = array<i64: 512, 1>}, {pipeline_mode = #tpu.pipeline_mode<synchronous>, transform_indices = @transform_5, window_bounds = array<i64: 128, 64>}, {pipeline_mode = #tpu.pipeline_mode<synchronous>, transform_indices = @transform_6, window_bounds = array<i64: 1, 64>}, {pipeline_mode = #tpu.pipeline_mode<synchronous>, transform_indices = @transform_7, window_bounds = array<i64: 64, 64>}]} {
    %get3A = arith.constant 0 : index
    %get3A_0 = arith.constant 0 : index
    %get3A_1 = vector.load %arg3[%get3A, %get3A_0] : memref<512x1xf32, #tpu.memory_space<vmem>>, vector<512x1xf32>
    %get3A_2 = arith.constant 0 : index
    %get3A_3 = arith.constant 0 : index
    %get3A_4 = arith.constant 0 : index
    %get3A_5 = vector.load %arg1[%get3A_2, %get3A_3, %get3A_4] : memref<2x512x128xf32, #tpu.memory_space<vmem>>, vector<1x512x128xf32>
    %get3A_6 = vector.shape_cast %get3A_5 : vector<1x512x128xf32> to vector<512x128xf32>
    %get3A_7 = arith.constant 1 : index
    %get3A_8 = arith.constant 0 : index
    %get3A_9 = arith.constant 0 : index
    %get3A_10 = vector.load %arg1[%get3A_7, %get3A_8, %get3A_9] : memref<2x512x128xf32, #tpu.memory_space<vmem>>, vector<1x512x128xf32>
    %get3A_11 = vector.shape_cast %get3A_10 : vector<1x512x128xf32> to vector<512x128xf32>
    %add3A = arith.addf %get3A_6, %get3A_11 : vector<512x128xf32>
    %get3A_12 = arith.constant 0 : index
    %get3A_13 = arith.constant 0 : index
    %get3A_14 = vector.load %arg2[%get3A_12, %get3A_13] : memref<512x128xf32, #tpu.memory_space<vmem>>, vector<512x128xf32>
    %add3A_15 = arith.addf %add3A, %get3A_14 : vector<512x128xf32>
    %mul3A = vector.broadcast %get3A_1 : vector<512x1xf32> to vector<512x128xf32>
    %mul3A_16 = arith.mulf %mul3A, %add3A_15 : vector<512x128xf32>
    %get3A_17 = arith.constant 0 : index
    %get3A_18 = arith.constant 0 : index
    %get3A_19 = vector.load %arg4[%get3A_17, %get3A_18] : memref<1x128xf32, #tpu.memory_space<vmem>>, vector<1x128xf32>
    %add3A_20 = vector.broadcast %get3A_19 : vector<1x128xf32> to vector<512x128xf32>
    %add3A_21 = arith.addf %mul3A_16, %add3A_20 : vector<512x128xf32>
    %iota3A = tpu.iota {dimensions = array<i32: 1>} : vector<512x64xi32>
    %get3A_22 = arith.constant 0 : index
    %get3A_23 = arith.constant 0 : index
    %get3A_24 = vector.load %arg5[%get3A_22, %get3A_23] : memref<512x1xi32, #tpu.memory_space<vmem>>, vector<512x1xi32>
    %eq3A = vector.broadcast %get3A_24 : vector<512x1xi32> to vector<512x64xi32>
    %eq3A_25 = arith.cmpi eq, %eq3A, %iota3A : vector<512x64xi32>
    %convert_element_type3A = arith.extui %eq3A_25 : vector<512x64xi1> to vector<512x64xi32>
    %convert_element_type3A_26 = arith.sitofp %convert_element_type3A : vector<512x64xi32> to vector<512x64xf32>
    %dot_general3A = arith.constant dense<0.000000e+00> : vector<64x128xf32>
    %dot_general3A_27 = tpu.matmul %convert_element_type3A_26, %add3A_21, %dot_general3A {dimension_numbers = #tpu.dot_dimension_numbers<[0], [0], [1], [1], [0, 1, 1, 1], [], []>, transpose_lhs_hint = false} : vector<512x64xf32>, vector<512x128xf32>, vector<64x128xf32> -> vector<64x128xf32>
    %broadcast_in_dim3A = arith.constant 1.000000e+00 : f32
    %broadcast_in_dim3A_28 = vector.broadcast %broadcast_in_dim3A : f32 to vector<512x128xf32>
    %dot_general3A_29 = arith.constant dense<0.000000e+00> : vector<64x128xf32>
    %dot_general3A_30 = tpu.matmul %convert_element_type3A_26, %broadcast_in_dim3A_28, %dot_general3A_29 {dimension_numbers = #tpu.dot_dimension_numbers<[0], [0], [1], [1], [0, 1, 1, 1], [], []>, transpose_lhs_hint = false} : vector<512x64xf32>, vector<512x128xf32>, vector<64x128xf32> -> vector<64x128xf32>
    %eq3A_31 = arith.constant 0 : i32
    %eq3A_32 = arith.cmpi eq, %arg0, %eq3A_31 : i32
    %convert_element_type3A_33 = arith.extui %eq3A_32 : i1 to i32
    %cond3A = arith.constant 0 : i32
    %cond3A_34 = arith.cmpi ne, %convert_element_type3A_33, %cond3A : i32
    scf.if %cond3A_34 {
      %swap3A = arith.constant 0 : index
      %swap3A_44 = arith.constant 0 : index
      %swap3A_45 = vector.load %arg9[%swap3A, %swap3A_44] : memref<64x128xf32, #tpu.memory_space<vmem>>, vector<64x128xf32>
      tpu.vector_store %arg9[%swap3A, %swap3A_44], %dot_general3A_27 {strides = array<i32>} : memref<64x128xf32, #tpu.memory_space<vmem>>, vector<64x128xf32>,
      %swap3A_46 = arith.constant 0 : index
      %swap3A_47 = arith.constant 0 : index
      %swap3A_48 = vector.load %arg10[%swap3A_46, %swap3A_47] : memref<64x128xf32, #tpu.memory_space<vmem>>, vector<64x128xf32>
      tpu.vector_store %arg10[%swap3A_46, %swap3A_47], %dot_general3A_30 {strides = array<i32>} : memref<64x128xf32, #tpu.memory_space<vmem>>, vector<64x128xf32>,
    } else {
    }
    %gt3A = arith.constant 0 : i32
    %gt3A_35 = arith.cmpi sgt, %arg0, %gt3A : i32
    %convert_element_type3A_36 = arith.extui %gt3A_35 : i1 to i32
    %cond3A_37 = arith.constant 0 : i32
    %cond3A_38 = arith.cmpi ne, %convert_element_type3A_36, %cond3A_37 : i32
    scf.if %cond3A_38 {
      %get3A_44 = arith.constant 0 : index
      %get3A_45 = arith.constant 0 : index
      %get3A_46 = vector.load %arg9[%get3A_44, %get3A_45] : memref<64x128xf32, #tpu.memory_space<vmem>>, vector<64x128xf32>
      %add3A_47 = arith.addf %get3A_46, %dot_general3A_27 : vector<64x128xf32>
      %swap3A = arith.constant 0 : index
      %swap3A_48 = arith.constant 0 : index
      %swap3A_49 = vector.load %arg9[%swap3A, %swap3A_48] : memref<64x128xf32, #tpu.memory_space<vmem>>, vector<64x128xf32>
      tpu.vector_store %arg9[%swap3A, %swap3A_48], %add3A_47 {strides = array<i32>} : memref<64x128xf32, #tpu.memory_space<vmem>>, vector<64x128xf32>,
      %get3A_50 = arith.constant 0 : index
      %get3A_51 = arith.constant 0 : index
      %get3A_52 = vector.load %arg10[%get3A_50, %get3A_51] : memref<64x128xf32, #tpu.memory_space<vmem>>, vector<64x128xf32>
      %add3A_53 = arith.addf %get3A_52, %dot_general3A_30 : vector<64x128xf32>
      %swap3A_54 = arith.constant 0 : index
      %swap3A_55 = arith.constant 0 : index
      %swap3A_56 = vector.load %arg10[%swap3A_54, %swap3A_55] : memref<64x128xf32, #tpu.memory_space<vmem>>, vector<64x128xf32>
      tpu.vector_store %arg10[%swap3A_54, %swap3A_55], %add3A_53 {strides = array<i32>} : memref<64x128xf32, #tpu.memory_space<vmem>>, vector<64x128xf32>,
    } else {
    }
    %eq3A_39 = arith.constant 19 : i32
    %eq3A_40 = arith.cmpi eq, %arg0, %eq3A_39 : i32
    %convert_element_type3A_41 = arith.extui %eq3A_40 : i1 to i32
    %cond3A_42 = arith.constant 0 : i32
    %cond3A_43 = arith.cmpi ne, %convert_element_type3A_41, %cond3A_42 : i32
    scf.if %cond3A_43 {
      %get3A_44 = arith.constant 0 : index
      %get3A_45 = arith.constant 0 : index
      %get3A_46 = vector.load %arg9[%get3A_44, %get3A_45] : memref<64x128xf32, #tpu.memory_space<vmem>>, vector<64x128xf32>
      %get3A_47 = arith.constant 0 : index
      %get3A_48 = arith.constant 0 : index
      %get3A_49 = vector.load %arg10[%get3A_47, %get3A_48] : memref<64x128xf32, #tpu.memory_space<vmem>>, vector<64x128xf32>
      %max3A = arith.constant 1.000000e+00 : f32
      %max3A_50 = vector.broadcast %max3A : f32 to vector<64x128xf32>
      %max3A_51 = arith.maximumf %get3A_49, %max3A_50 : vector<64x128xf32>
      %div3A = arith.divf %get3A_46, %max3A_51 : vector<64x128xf32>
      %get3A_52 = arith.constant 0 : index
      %get3A_53 = arith.constant 0 : index
      %get3A_54 = vector.load %arg6[%get3A_52, %get3A_53] : memref<128x64xf32, #tpu.memory_space<vmem>>, vector<128x64xf32>
      %dot_general3A_55 = arith.constant dense<0.000000e+00> : vector<64x64xf32>
      %dot_general3A_56 = tpu.matmul %div3A, %get3A_54, %dot_general3A_55 {dimension_numbers = #tpu.dot_dimension_numbers<[1], [0], [0], [1], [0, 0, 1, 1], [], []>, transpose_lhs_hint = false} : vector<64x128xf32>, vector<128x64xf32>, vector<64x64xf32> -> vector<64x64xf32>
      %get3A_57 = arith.constant 0 : index
      %get3A_58 = arith.constant 0 : index
      %get3A_59 = vector.load %arg7[%get3A_57, %get3A_58] : memref<1x64xf32, #tpu.memory_space<vmem>>, vector<1x64xf32>
      %add3A_60 = vector.broadcast %get3A_59 : vector<1x64xf32> to vector<64x64xf32>
      %add3A_61 = arith.addf %dot_general3A_56, %add3A_60 : vector<64x64xf32>
      %swap3A = arith.constant 0 : index
      %swap3A_62 = arith.constant 0 : index
      %swap3A_63 = vector.load %arg8[%swap3A, %swap3A_62] : memref<64x64xf32, #tpu.memory_space<vmem>>, vector<64x64xf32>
      tpu.vector_store %arg8[%swap3A, %swap3A_62], %add3A_61 {strides = array<i32>} : memref<64x64xf32, #tpu.memory_space<vmem>>, vector<64x64xf32>,
    } else {
    }
    return
  }
  func.func @transform_0(%arg0: i32) -> (i32, i32, i32) {
    %c0_i32 = arith.constant 0 : i32
    %c0_i32_0 = arith.constant 0 : i32
    %c0_i32_1 = arith.constant 0 : i32
    return %c0_i32, %arg0, %c0_i32_0 : i32, i32, i32
  }
  func.func @transform_1(%arg0: i32) -> (i32, i32) {
    %c0_i32 = arith.constant 0 : i32
    %c0_i32_0 = arith.constant 0 : i32
    return %arg0, %c0_i32 : i32, i32
  }
  func.func @transform_2(%arg0: i32) -> (i32, i32) {
    %c0_i32 = arith.constant 0 : i32
    %c0_i32_0 = arith.constant 0 : i32
    return %arg0, %c0_i32 : i32, i32
  }
  func.func @transform_3(%arg0: i32) -> (i32, i32) {
    %c0_i32 = arith.constant 0 : i32
    %c0_i32_0 = arith.constant 0 : i32
    %c0_i32_1 = arith.constant 0 : i32
    return %c0_i32, %c0_i32_0 : i32, i32
  }
  func.func @transform_4(%arg0: i32) -> (i32, i32) {
    %c0_i32 = arith.constant 0 : i32
    %c0_i32_0 = arith.constant 0 : i32
    return %arg0, %c0_i32 : i32, i32
  }
  func.func @transform_5(%arg0: i32) -> (i32, i32) {
    %c0_i32 = arith.constant 0 : i32
    %c0_i32_0 = arith.constant 0 : i32
    %c0_i32_1 = arith.constant 0 : i32
    return %c0_i32, %c0_i32_0 : i32, i32
  }
  func.func @transform_6(%arg0: i32) -> (i32, i32) {
    %c0_i32 = arith.constant 0 : i32
    %c0_i32_0 = arith.constant 0 : i32
    %c0_i32_1 = arith.constant 0 : i32
    return %c0_i32, %c0_i32_0 : i32, i32
  }
  func.func @transform_7(%arg0: i32) -> (i32, i32) {
    %c0_i32 = arith.constant 0 : i32
    %c0_i32_0 = arith.constant 0 : i32
    %c0_i32_1 = arith.constant 0 : i32
    return %c0_i32, %c0_i32_0 : i32, i32
  }
}

</mosaic_0001>

<sc_bundles>
// kernel: kernel.10.cloned.1.call-start
scs
__scs_entry_jumppad:
0x0: {  	(pc) =	sbr.rel $0x88, $3  }
0x1: {  	(tag) =	ssettag $0x0;
	lr =	simm.s32 $0x1  }
0x2: {  	[smem:$0x3F96] =	sst lr;
	_ =	strace $0xD0000000  }
0x3: {  	_ = 	snop  }
0x4: {  	_ = 	snop  }
0x5: {  	_ = 	snop  }
0x6: {  	_ = 	snop  }
0x7: {  	_ = 	snop  }
__scs_overlays_trampoline_lowered:
0x8: {  	[smem:$0x3FA5] =	sst s0  }
0x9: {  	[smem:$0x3FA6] =	sst s1  }
0xa: {  	[smem:$0x3FA7] =	sst s2  }
0xb: {  	[smem:$0x3FA8] =	sst s3  }
0xc: {  	[smem:$0x3FA9] =	sst s4  }
0xd: {  	[smem:$0x3FAA] =	sst s5  }
0xe: {  	[smem:$0x3FAB] =	sst s6  }
0xf: {  	[smem:$0x3FAC] =	sst s7  }
0x10: {  	[smem:$0x3FAD] =	sst s8  }
0x11: {  	[smem:$0x3FAE] =	sst s9;
	s0 =	simm.s32 @!p0 $0x0  }
0x12: {  	s1 =	sld [smem:$0x3F94];
	s0 =	simm.s32 @p0 $0x1  }
0x13: {  	[smem:$0x3FAF] =	sst s0;
	s0 =	simm.s32 @!p1 $0x0  }
0x14: {  	s2 =	sld [smem:$0x3F93];
	s0 =	simm.s32 @p1 $0x1  }
0x15: {  	[smem:$0x3FB0] =	sst s0;
	s0 =	simm.s32 @!p2 $0x0  }
0x16: {  	s3 =	sld [smem:$0x3FDB];
	s0 =	simm.s32 @p2 $0x1  }
0x17: {  	s4 =	simm.s32 $0x1BF5;
	[smem:$0x3FB2] =	sst s0  }
0x18: {  	s0 =	sld [smem:$0x3F95];
	_ =	swait.ge [sflag:s4], $0x0  }
0x19: {  	s7 =	sld [smem:$0x3F96]  }
0x1a: {  	s8 =	sadd.s32 $0xFFFFE003, lr  }
0x1b: {  	s9 =	sadd.s32 $0xFFFFFEF7, lr;
	s5 =	simm.s32 $0xFFFFFFFF;
	p2 =	slt.u32 s8, $0xFFFFF086  }
0x1c: {  	p1 =	slt.u32 s9, $0xF7A;
	s5 =	simm.s32 @!p2 $0x0  }
0x1d: {  	s5 =	simm.s32 @p1 $0x1;
	p0 =	seq.s32 s7, s2  }
0x1e: {  	s7 =	smul.u32 @!p0 $0xF7A, s2;
	p2 =	seq.s32 @!p0 s5, $0x0  }
0x1f: {  	s9 =	smul.u32 $0xF7A, s1;
	s8 =	simm.s32 @!p0 $0x1BF5;
	p2 =	por !p2, p0  }
0x20: {  	[sflag:s8] =	ssyncset.s32 @!p0 $0xFFFFF086;
	s6 =	sadd.s32 @!p0 s3, s7;
	s7 =	simm.s32 @!p0 $0x108  }
0x21: {  	s3 =	sadd.s32 s3, s9;
	s6 =	sadd.s32 @!p0 $0x88, s6;
	s7 =	simm.s32 @p2 $0x1082  }
0x22: {  	[simem:s7], [sflag:s8] =	dma.local @!p0 [hbm:s6], $0xF7A  }
0x23: {  	s9 =	sor.u32 $0xD0000000, s2;
	s6 =	simm.s32 $0x108;
	_ =	swait.ge @!p0 [sflag:s8], $0x0  }
0x24: {  	s3 =	sadd.s32 $0x88, s3;
	s6 =	simm.s32 @!p1 $0x1082;
	[sflag:s4] =	ssyncset.s32 $0xFFFFF086  }
0x25: {  	[simem:s6], [sflag:s4] =	dma.local [hbm:s3], $0xF7A  }
0x26: {  	[smem:$0x3F96] =	sst s1;
	(tag) =	ssettag s2;
	_ =	strace s9  }
0x27: {  	s1 =	sld [smem:$0x3FA6]  }
0x28: {  	s2 =	sld [smem:$0x3FA7]  }
0x29: {  	s4 =	sld [smem:$0x3FA9]  }
0x2a: {  	p0 =	seq.s32 s5, $0x0;
	s5 =	sld [smem:$0x3FAA]  }
0x2b: {  	s6 =	sld [smem:$0x3FAB]  }
0x2c: {  	s7 =	sld [smem:$0x3FAC]  }
0x2d: {  	s3 =	simm.s32 $0x108;
	s8 =	sld [smem:$0x3FAD]  }
0x2e: {  	s3 =	simm.s32 @!p0 $0x1082;
	s9 =	sld [smem:$0x3FAE]  }
0x2f: {  	lr =	sadd.s32 s0, s3;
	s0 =	sld [smem:$0x3FA5]  }
0x30: {  	s3 =	sld [smem:$0x3FA8]  }
0x31: {  	[smem:$0x3FB1] =	sst s10  }
0x32: {  	s10 =	sld [smem:$0x3FAF];
	_ =	sdelay $0x3  }
0x33: {  	p0 =	seq.s32 s10, $0x1;
	s10 =	sld [smem:$0x3FB1];
	_ =	sdelay $0x3  }
0x34: {  	[smem:$0x3FB1] =	sst s10  }
0x35: {  	s10 =	sld [smem:$0x3FB0];
	_ =	sdelay $0x3  }
0x36: {  	p1 =	seq.s32 s10, $0x1;
	s10 =	sld [smem:$0x3FB1];
	_ =	sdelay $0x3  }
0x37: {  	[smem:$0x3FB1] =	sst s10  }
0x38: {  	s10 =	sld [smem:$0x3FB2]  }
0x39: {  	_ = 	snop;
	(pc) =	sbr.ind lr, $3  }
0x3a: {  	_ = 	snop  }
0x3b: {  	_ = 	snop  }
0x3c: {  	p2 =	seq.s32 s10, $0x1;
	s10 =	sld [smem:$0x3FB1]  }
0x3d: {  	_ =	shalt  }
0x3e: {  	_ =	shalt  }
0x3f: {  	_ =	shalt  }
0x40: {  	_ =	shalt  }
0x41: {  	_ =	shalt  }
0x42: {  	_ =	shalt  }
0x43: {  	_ =	shalt  }
0x44: {  	_ =	shalt  }
0x45: {  	_ =	shalt  }
0x46: {  	_ =	shalt  }
0x47: {  	_ =	shalt  }
0x48: {  	_ =	shalt  }
0x49: {  	_ =	shalt  }
0x4a: {  	_ =	shalt  }
0x4b: {  	_ =	shalt  }
0x4c: {  	_ =	shalt  }
0x4d: {  	_ =	shalt  }
0x4e: {  	_ =	shalt  }
0x4f: {  	_ =	shalt  }
0x50: {  	_ =	shalt  }
0x51: {  	_ =	shalt  }
0x52: {  	_ =	shalt  }
0x53: {  	_ =	shalt  }
0x54: {  	_ =	shalt  }
0x55: {  	_ =	shalt  }
0x56: {  	_ =	shalt  }
0x57: {  	_ =	shalt  }
0x58: {  	_ =	shalt  }
0x59: {  	_ =	shalt  }
0x5a: {  	_ =	shalt  }
0x5b: {  	_ =	shalt  }
0x5c: {  	_ =	shalt  }
0x5d: {  	_ =	shalt  }
0x5e: {  	_ =	shalt  }
0x5f: {  	_ =	shalt  }
0x60: {  	_ =	shalt  }
0x61: {  	_ =	shalt  }
0x62: {  	_ =	shalt  }
0x63: {  	_ =	shalt  }
0x64: {  	_ =	shalt  }
0x65: {  	_ =	shalt  }
0x66: {  	_ =	shalt  }
0x67: {  	_ =	shalt  }
0x68: {  	_ =	shalt  }
0x69: {  	_ =	shalt  }
0x6a: {  	_ =	shalt  }
0x6b: {  	_ =	shalt  }
0x6c: {  	_ =	shalt  }
0x6d: {  	_ =	shalt  }
0x6e: {  	_ =	shalt  }
0x6f: {  	_ =	shalt  }
0x70: {  	_ =	shalt  }
0x71: {  	_ =	shalt  }
0x72: {  	_ =	shalt  }
0x73: {  	_ =	shalt  }
0x74: {  	_ =	shalt  }
0x75: {  	_ =	shalt  }
0x76: {  	_ =	shalt  }
0x77: {  	_ =	shalt  }
0x78: {  	_ =	shalt  }
0x79: {  	_ =	shalt  }
0x7a: {  	_ =	shalt  }
0x7b: {  	_ =	shalt  }
0x7c: {  	_ =	shalt  }
0x7d: {  	_ =	shalt  }
0x7e: {  	_ =	shalt  }
0x7f: {  	_ =	shalt  }
0x80: {  	_ =	shalt  }
0x81: {  	_ =	shalt  }
0x82: {  	_ =	shalt  }
0x83: {  	_ =	shalt  }
0x84: {  	_ =	shalt  }
0x85: {  	_ =	shalt  }
0x86: {  	_ =	shalt  }
0x87: {  	_ =	shalt  }
.Lfunc_end0:
.L_simem_size_0:
called_computation_lowered:
.L_overlay_start_0:
0x88: {  	s2 =	sld [smem:$0x3FD9]  }
0x89: {  	s3 =	sld [smem:$0x3FFE];
	_ =	sdelay $0x1  }
0x8a: {  	s1 =	srdreg.scid  }
0x8b: {  	s0 =	sand.u32 $0x1, s1  }
0x8c: {  	s16 =	sshll.u32 s0, $0xA;
	s2 =	sadd.s32 s3, s2  }
0x8d: {  	s2 =	sadd.s32 s2, s16  }
0x8e: {  	[smem:$0x3FBD] =	sst s2  }
0x8f: {  	_ = 	snop  }
0x90: {  	(tm) =	ssettm $0x1  }
0x91: {  	s17 =	sld [smem:$0x3FFB];
	_ =	sdelay $0x3  }
0x92: {  	_ =	strace s17  }
0x93: {  	s2 =	sld [smem:$0x3FFC];
	_ =	sdelay $0x3  }
0x94: {  	_ =	strace s2  }
0x95: {  	s2 =	sld [smem:$0x3FFD];
	_ =	sdelay $0x3  }
0x96: {  	_ =	strace s2  }
0x97: {  	_ =	strace $0x8FFFFFFF  }
0x98: {  	s18 =	sld [smem:$0x3FDB];
	_ =	sdelay $0x1  }
0x99: {  	s19 =	simm.s32 $_scs_section_size  }
0x9a: {  	s4 =	simm.s32 $_size__tile_overlayer_lowered;
	s5 =	simm.s32 $_tile_overlayer_lowered  }
0x9b: {  	s22 =	simm.s32 $0x1BFF;
	s21 =	sshll.u32 s5, $0x1;
	s2 =	sadd.s32 s19, s18  }
0x9c: {  	s6 =	simm.s32 $0x0;
	s20 =	sshll.u32 s4, $0x1;
	s4 =	sadd.s32 s21, s2  }
0x9d: {  	[timem:s6], [sflag:s22] =	dma.local [hbm:s4], s20  }
0x9e: {  	_ =	swait.ge [sflag:s22], s20  }
0x9f: {  	s3 =	ssub.s32 $0x0, s20;
	[sflag:s22] =	ssyncset.done $0x0  }
0xa0: {  	[sflag:s22] =	ssyncadd.s32 s3;
	_ =	sdelay $0x1  }
0xa1: {  	s23 =	simm.s32 $0x1B8B  }
0xa2: {  	_ =	swait.ge [sflag:s23], $0x1  }
0xa3: {  	[sflag:s23] =	ssyncset.done $0x0  }
0xa4: {  	s25 =	simm.s32 $0x1B8E;
	s24 =	sld [smem:$0x3FFE];
	[sflag:s23] =	ssyncadd.s32 $0xFFFFFFFF  }
0xa5: {  	s26 =	simm.s32 $execute0_lowered;
	[smem:$0x3FD2] =	sst s25  }
0xa6: {  	s4 =	sshll.u32 s26, $0x1;
	_ =	strace $0x80000046;
	[dreg:$0x1] =	wrdreg $0xFFFFFFFF  }
0xa7: {  	s28 =	simm.s32 $_size_execute0_lowered;
	s2 =	sadd.s32 s2, s4;
	[dreg:$0x0] =	wrdreg $0x0  }
0xa8: {  	s4 =	sshll.u32 s28, $0x1;
	[dreg:$0x2] =	wrdreg s2  }
0xa9: {  	[dreg:$0x3] =	wrdreg s4  }
0xaa: {  	[dreg:$0x4] =	wrdreg $0xC0  }
0xab: {  	_ =	task [dreg:s6], $0x5FFFF  }
0xac: {  	[dreg:$0x1] =	wrdreg $0xFFFFFFFF  }
0xad: {  	[dreg:$0x0] =	wrdreg $0x60  }
0xae: {  	[dreg:$0x2] =	wrdreg s24  }
0xaf: {  	[dreg:$0x3] =	wrdreg $0x68000  }
0xb0: {  	[dreg:$0x4] =	wrdreg $0x9  }
0xb1: {  	_ =	task.clear_ibuf [dreg:s6], $0x5FFFF;
	_ =	strace $0x90000046  }
0xb2: {  	s29 =	simm.s32 $0x9;
	_ =	strace $0x80000048  }
0xb3: {  	_ =	swait.ge [sflag:s29], $0x1  }
0xb4: {  	[sflag:s29] =	ssyncadd.s32 $0xFFFFFFFF  }
0xb5: {  	_ =	strace $0x90000048  }
0xb6: {  	_ =	sfence  }
0xb7: {  	s30 =	sld [smem:$0x0];
	_ =	sdelay $0x2  }
0xb8: {  	s31 =	sshll.u32 s1, $0xD;
	s1 =	sshrl.u32 s1, $0x2  }
0xb9: {  	s3 =	sand.u32 $0x4000, s31;
	s1 =	sadd.s32 s1, s30  }
0xba: {  	s0 =	sor.u32 s3, s0;
	s1 =	sshll.u32 s1, $0x11  }
0xbb: {  	s0 =	sor.u32 s1, s0  }
0xbc: {  	s0 =	sadd.s32 $0x8F2B, s0  }
0xbd: {  	[sflag:s0] =	ssyncadd.remote.s32 $0x1  }
0xbe: {  	_ =	sfence.sel $0xFFFF  }
0xbf: {  	[dreg:$0x0] =	wrdreg $0xFFFFFFFF;
	(pc) =	sbr.abs _section_cstart, $3  }
0xc0: {  	[dreg:$0x1] =	wrdreg $0xFFFFFFFF  }
0xc1: {  	_ =	task.clear_ibuf [dreg:s6], $0x2FFFF;
	_ =	strace $0x9FFFFFFF  }
0xc2: {  	(tm) =	ssettm $0x7FFFFFFF  }
0xc3: {  	_ =	shalt  }
tec
execute0_lowered:
.L_overlay_start_1:
0x0: {  	(tag) =	ssettag $0x1  }
0x1: {  	s0 =	srdreg.scid;
	s4 =	rddreg [dreg:$0x0]  }
0x2: {  	s1 =	rddreg [dreg:$0x1];
	s7 =	stileid.u32;
	s2 =	simm.s32 $0x0  }
0x3: {  	s10 =	simm.s32 $0x2800;
	s11 =	simm.s32 $0x1;
	s3 =	sand.u32 $0x1, s0  }
0x4: {  	s12 =	simm.s32 $0x0;
	s0 =	rddreg [dreg:$0x2];
	s5 =	sshll.u32 s3, $0x4  }
0x5: {  	[smem:$0x7FF] =	sst s2;
	s6 =	smul.u32 $0x28000, s3;
	s5 =	sor.u32 s7, s5  }
0x6: {  	p0 =	sne.s32 s7, $0x0;
	s8 =	ssub.s32 $0x2, s3;
	s5 =	smul.u32 $0x500, s5  }
0x7: {  	_ =	strace $0x80000047;
	s3 =	sadd.s32 $0xD000, s4;
	s9 =	sshrl.u32 s8, $0x1  }
0x8: {  	s7 =	simm.s32 $0x2;
	s6 =	sadd.s32 s6, s4;
	s5 =	sadd.s32 s5, s4  }
0x9: {  	s8 =	ssub.s32 s8, s9;
	s9 =	simm.s32 $0x80;
	s4 =	sadd.s32 $0x3000, s5  }
0xa: {  	v0 =	vimm.f32 $1.000000000e+00;
	s5 =	sadd.s32 $0x35000, s6;
	s6 =	smax.u32 s8, $0x1;
	s8 =	sshrl.u32 @!p0 s1, $0x3  }
.LBB2_1:
0xb: {  	s13 =	simm.s32 $0x0;
	s14 =	simm.s32 $0x200  }
.LBB2_2:
0xc: {  	p1 =	sne.s32 s14, $0xFE00;
	[tilespmem:s13+$0x2870] =	vst v0  }
0xd: {  	[tilespmem:s13+$0x2800] =	vst v0  }
0xe: {  	[tilespmem:s13+$0x2810] =	vst v0  }
.Ltmp0:
0xf: {  	[tilespmem:s13+$0x2820] =	vst v0;
	(pc) =	sbr.rel @p1 .LBB2_2-.Ltmp0, $4  }
0x10: {  	[tilespmem:s13+$0x2830] =	vst v0  }
0x11: {  	[tilespmem:s13+$0x2840] =	vst v0  }
0x12: {  	[tilespmem:s13+$0x2850] =	vst v0  }
0x13: {  	[tilespmem:s13+$0x2860] =	vst v0;
	s13 =	sshra.s32 s14, $0x2;
	s14 =	sadd.s32 $0x200, s14  }
0x14: {  	[tilespmem:s13+$0x2870] =	vst v0  }
0x15: {  	[tilespmem:s13+$0x2800] =	vst v0  }
0x16: {  	[tilespmem:s13+$0x2810] =	vst v0  }
0x17: {  	[tilespmem:s13+$0x2820] =	vst v0  }
0x18: {  	[tilespmem:s13+$0x2830] =	vst v0  }
0x19: {  	[tilespmem:s13+$0x2840] =	vst v0  }
0x1a: {  	[tilespmem:s13+$0x2850] =	vst v0  }
0x1b: {  	[tilespmem:s13+$0x2860] =	vst v0  }
0x1c: {  	[tilespmem:s2], [sflag:$0x2] =	stream.linear.gather [hbm4b:s4+s2], $0x2780, $0x38;
	[tilespmem:$0x1A800] =	vst v63  }
0x1d: {  	_ =	swait.ge [sflag:s7], $0x2780  }
0x1e: {  	[sflag:s7] =	ssyncset.done $0x0  }
0x1f: {  	s13 =	simm.s32 @!p0 $0x1C02;
	[sflag:s7] =	ssyncadd.s32 $0xFFFFD880  }
0x20: {  	[spmem:s8], [sflag:s13] =	dma.local @!p0 [hbm:s3], $0x28000  }
0x21: {  	s13 =	simm.s32 @!p0 $0x2  }
0x22: {  	_ =	swait.ge @!p0 [sflag:s13], $0x28000  }
0x23: {  	[sflag:s13] =	ssyncset.done @!p0 $0x0  }
0x24: {  	[sflag:s13] =	ssyncadd.s32 @!p0 $0xFFFD8000  }
0x25: {  	[bflag:$0x0] =	sbarrier.arrive $0xFFFF  }
0x26: {  	[spmem:s1] =	stream.indirect.scatter.add.f32 [tilespmem:s10], [sflag:$0x1], $0x80, s2, s9, $0xb8;
	[tilespmem:$0x1A800] =	vst v63  }
0x27: {  	s31 =	simm.s32 $0x80  }
0x28: {  	[spmem:s1] =	stream.indirect.scatter.add.f32 [tilespmem:s10], [sflag:$0x1], $0x80, s31, s9, $0xb8;
	[tilespmem:$0x1A800] =	vst v63  }
0x29: {  	_ =	swait.ge [sflag:s11], $0x4000  }
0x2a: {  	s13 =	simm.s32 $0x400;
	[sflag:s11] =	ssyncset.done $0x0  }
.LBB2_4:
0x2b: {  	s14 =	sshra.s32 s13, $0x2;
	[sflag:s11] =	ssyncadd.s32 $0xFFFFC000;
	p1 =	sne.s32 s13, $0x9C00  }
0x2c: {  	[spmem:s1] =	stream.indirect.scatter.add.f32 [tilespmem:s10], [sflag:$0x1], $0x80, s14, s9, $0xb8;
	[tilespmem:$0x1A800] =	vst v63  }
.Ltmp1:
0x2d: {  	_ = 	snop;
	(pc) =	sbr.rel @p1 .LBB2_4-.Ltmp1, $4  }
0x2e: {  	_ = 	snop  }
0x2f: {  	s13 =	sadd.s32 $0x200, s13  }
0x30: {  	_ =	swait.ge [sflag:s11], $0x4000  }
0x31: {  	[sflag:s11] =	ssyncset.done $0x0  }
0x32: {  	[sflag:s11] =	ssyncadd.s32 $0xFFFFC000  }
0x33: {  	_ =	swait.ge [sflag:s11], $0x4000  }
0x34: {  	[sflag:s11] =	ssyncset.done $0x0  }
0x35: {  	s12 =	sadd.s32 $0x1, s12;
	[sflag:s11] =	ssyncadd.s32 $0xFFFFC000  }
0x36: {  	s13 =	simm.s32 @!p0 $0x1C02;
	p1 =	sne.s32 s12, s6;
	[bflag:$0x0] =	sbarrier.arrive $0xFFFF  }
0x37: {  	[hbm:s5], [sflag:s13] =	dma.local @!p0 [spmem:s8], $0x28000  }
.Ltmp2:
0x38: {  	_ = 	snop;
	(pc) =	sbr.rel @p1 .LBB2_1-.Ltmp2, $4  }
0x39: {  	s13 =	simm.s32 @!p0 $0x2  }
0x3a: {  	_ =	swait.ge @!p0 [sflag:s13], $0x28000  }
0x3b: {  	[sflag:s13] =	ssyncset.done @!p0 $0x0  }
0x3c: {  	[sflag:s13] =	ssyncadd.s32 @!p0 $0xFFFD8000  }
0x3d: {  	_ =	sfence.sel $0x180000  }
0x3e: {  	[bflag:$0x0] =	sbarrier.arrive $0xFFFF  }
0x3f: {  	_ =	strace $0x90000047  }
0x40: {  	s0 =	sadd.s32 @!p0 $0x100000, s0;
	[bflag:$0x2] =	sbarrier.arrive $0xFFFF  }
0x41: {  	[sflag:s0] =	ssyncadd.tile.s32 @!p0 $0x1;
	_ =	shalt  }
.Lfunc_end2:
_tile_overlayer_lowered:
.L_overlay_start_2:
0x42: {  	(tag) =	ssettag $0x2  }
0x43: {  	s0 =	rddreg [dreg:$0x0];
	s2 =	stileid.u32  }
0x44: {  	s1 =	rddreg [dreg:$0x1];
	p0 =	sne.s32 s2, $0x0  }
0x45: {  	s3 =	rddreg [dreg:$0x2];
	[bflag:$0x3] =	sbarrier.arrive $0xFFFF;
	s2 =	simm.s32 @!p0 $0x1C02  }
0x46: {  	[timem:s3], [sflag:s2] =	dma.local @!p0 [hbm:s0], s1  }
0x47: {  	s0 =	simm.s32 @!p0 $0x2  }
0x48: {  	_ =	swait.ge @!p0 [sflag:s0], s1  }
0x49: {  	s1 =	ssub.s32 @!p0 $0x0, s1;
	[sflag:s0] =	ssyncset.done @!p0 $0x0  }
0x4a: {  	[sflag:s0] =	ssyncadd.s32 @!p0 s1  }
0x4b: {  	[bflag:$0x3] =	sbarrier.arrive $0xFFFF  }
0x4c: {  	_ =	shalt  }

// kernel: kernel.13.cloned.1.call-start
scs
__scs_entry_jumppad:
0x0: {  	(pc) =	sbr.rel $0x88, $3  }
0x1: {  	(tag) =	ssettag $0x0;
	lr =	simm.s32 $0x1  }
0x2: {  	[smem:$0x3F96] =	sst lr;
	_ =	strace $0xD0000000  }
0x3: {  	_ = 	snop  }
0x4: {  	_ = 	snop  }
0x5: {  	_ = 	snop  }
0x6: {  	_ = 	snop  }
0x7: {  	_ = 	snop  }
__scs_overlays_trampoline_lowered:
0x8: {  	[smem:$0x3FA5] =	sst s0  }
0x9: {  	[smem:$0x3FA6] =	sst s1  }
0xa: {  	[smem:$0x3FA7] =	sst s2  }
0xb: {  	[smem:$0x3FA8] =	sst s3  }
0xc: {  	[smem:$0x3FA9] =	sst s4  }
0xd: {  	[smem:$0x3FAA] =	sst s5  }
0xe: {  	[smem:$0x3FAB] =	sst s6  }
0xf: {  	[smem:$0x3FAC] =	sst s7  }
0x10: {  	[smem:$0x3FAD] =	sst s8  }
0x11: {  	[smem:$0x3FAE] =	sst s9;
	s0 =	simm.s32 @!p0 $0x0  }
0x12: {  	s1 =	sld [smem:$0x3F94];
	s0 =	simm.s32 @p0 $0x1  }
0x13: {  	[smem:$0x3FAF] =	sst s0;
	s0 =	simm.s32 @!p1 $0x0  }
0x14: {  	s2 =	sld [smem:$0x3F93];
	s0 =	simm.s32 @p1 $0x1  }
0x15: {  	[smem:$0x3FB0] =	sst s0;
	s0 =	simm.s32 @!p2 $0x0  }
0x16: {  	s3 =	sld [smem:$0x3FDB];
	s0 =	simm.s32 @p2 $0x1  }
0x17: {  	s4 =	simm.s32 $0x1BF5;
	[smem:$0x3FB2] =	sst s0  }
0x18: {  	s0 =	sld [smem:$0x3F95];
	_ =	swait.ge [sflag:s4], $0x0  }
0x19: {  	s7 =	sld [smem:$0x3F96]  }
0x1a: {  	s8 =	sadd.s32 $0xFFFFE003, lr  }
0x1b: {  	s9 =	sadd.s32 $0xFFFFFEF7, lr;
	s5 =	simm.s32 $0xFFFFFFFF;
	p2 =	slt.u32 s8, $0xFFFFF086  }
0x1c: {  	p1 =	slt.u32 s9, $0xF7A;
	s5 =	simm.s32 @!p2 $0x0  }
0x1d: {  	s5 =	simm.s32 @p1 $0x1;
	p0 =	seq.s32 s7, s2  }
0x1e: {  	s7 =	smul.u32 @!p0 $0xF7A, s2;
	p2 =	seq.s32 @!p0 s5, $0x0  }
0x1f: {  	s9 =	smul.u32 $0xF7A, s1;
	s8 =	simm.s32 @!p0 $0x1BF5;
	p2 =	por !p2, p0  }
0x20: {  	[sflag:s8] =	ssyncset.s32 @!p0 $0xFFFFF086;
	s6 =	sadd.s32 @!p0 s3, s7;
	s7 =	simm.s32 @!p0 $0x108  }
0x21: {  	s3 =	sadd.s32 s3, s9;
	s6 =	sadd.s32 @!p0 $0x88, s6;
	s7 =	simm.s32 @p2 $0x1082  }
0x22: {  	[simem:s7], [sflag:s8] =	dma.local @!p0 [hbm:s6], $0xF7A  }
0x23: {  	s9 =	sor.u32 $0xD0000000, s2;
	s6 =	simm.s32 $0x108;
	_ =	swait.ge @!p0 [sflag:s8], $0x0  }
0x24: {  	s3 =	sadd.s32 $0x88, s3;
	s6 =	simm.s32 @!p1 $0x1082;
	[sflag:s4] =	ssyncset.s32 $0xFFFFF086  }
0x25: {  	[simem:s6], [sflag:s4] =	dma.local [hbm:s3], $0xF7A  }
0x26: {  	[smem:$0x3F96] =	sst s1;
	(tag) =	ssettag s2;
	_ =	strace s9  }
0x27: {  	s1 =	sld [smem:$0x3FA6]  }
0x28: {  	s2 =	sld [smem:$0x3FA7]  }
0x29: {  	s4 =	sld [smem:$0x3FA9]  }
0x2a: {  	p0 =	seq.s32 s5, $0x0;
	s5 =	sld [smem:$0x3FAA]  }
0x2b: {  	s6 =	sld [smem:$0x3FAB]  }
0x2c: {  	s7 =	sld [smem:$0x3FAC]  }
0x2d: {  	s3 =	simm.s32 $0x108;
	s8 =	sld [smem:$0x3FAD]  }
0x2e: {  	s3 =	simm.s32 @!p0 $0x1082;
	s9 =	sld [smem:$0x3FAE]  }
0x2f: {  	lr =	sadd.s32 s0, s3;
	s0 =	sld [smem:$0x3FA5]  }
0x30: {  	s3 =	sld [smem:$0x3FA8]  }
0x31: {  	[smem:$0x3FB1] =	sst s10  }
0x32: {  	s10 =	sld [smem:$0x3FAF];
	_ =	sdelay $0x3  }
0x33: {  	p0 =	seq.s32 s10, $0x1;
	s10 =	sld [smem:$0x3FB1];
	_ =	sdelay $0x3  }
0x34: {  	[smem:$0x3FB1] =	sst s10  }
0x35: {  	s10 =	sld [smem:$0x3FB0];
	_ =	sdelay $0x3  }
0x36: {  	p1 =	seq.s32 s10, $0x1;
	s10 =	sld [smem:$0x3FB1];
	_ =	sdelay $0x3  }
0x37: {  	[smem:$0x3FB1] =	sst s10  }
0x38: {  	s10 =	sld [smem:$0x3FB2]  }
0x39: {  	_ = 	snop;
	(pc) =	sbr.ind lr, $3  }
0x3a: {  	_ = 	snop  }
0x3b: {  	_ = 	snop  }
0x3c: {  	p2 =	seq.s32 s10, $0x1;
	s10 =	sld [smem:$0x3FB1]  }
0x3d: {  	_ =	shalt  }
0x3e: {  	_ =	shalt  }
0x3f: {  	_ =	shalt  }
0x40: {  	_ =	shalt  }
0x41: {  	_ =	shalt  }
0x42: {  	_ =	shalt  }
0x43: {  	_ =	shalt  }
0x44: {  	_ =	shalt  }
0x45: {  	_ =	shalt  }
0x46: {  	_ =	shalt  }
0x47: {  	_ =	shalt  }
0x48: {  	_ =	shalt  }
0x49: {  	_ =	shalt  }
0x4a: {  	_ =	shalt  }
0x4b: {  	_ =	shalt  }
0x4c: {  	_ =	shalt  }
0x4d: {  	_ =	shalt  }
0x4e: {  	_ =	shalt  }
0x4f: {  	_ =	shalt  }
0x50: {  	_ =	shalt  }
0x51: {  	_ =	shalt  }
0x52: {  	_ =	shalt  }
0x53: {  	_ =	shalt  }
0x54: {  	_ =	shalt  }
0x55: {  	_ =	shalt  }
0x56: {  	_ =	shalt  }
0x57: {  	_ =	shalt  }
0x58: {  	_ =	shalt  }
0x59: {  	_ =	shalt  }
0x5a: {  	_ =	shalt  }
0x5b: {  	_ =	shalt  }
0x5c: {  	_ =	shalt  }
0x5d: {  	_ =	shalt  }
0x5e: {  	_ =	shalt  }
0x5f: {  	_ =	shalt  }
0x60: {  	_ =	shalt  }
0x61: {  	_ =	shalt  }
0x62: {  	_ =	shalt  }
0x63: {  	_ =	shalt  }
0x64: {  	_ =	shalt  }
0x65: {  	_ =	shalt  }
0x66: {  	_ =	shalt  }
0x67: {  	_ =	shalt  }
0x68: {  	_ =	shalt  }
0x69: {  	_ =	shalt  }
0x6a: {  	_ =	shalt  }
0x6b: {  	_ =	shalt  }
0x6c: {  	_ =	shalt  }
0x6d: {  	_ =	shalt  }
0x6e: {  	_ =	shalt  }
0x6f: {  	_ =	shalt  }
0x70: {  	_ =	shalt  }
0x71: {  	_ =	shalt  }
0x72: {  	_ =	shalt  }
0x73: {  	_ =	shalt  }
0x74: {  	_ =	shalt  }
0x75: {  	_ =	shalt  }
0x76: {  	_ =	shalt  }
0x77: {  	_ =	shalt  }
0x78: {  	_ =	shalt  }
0x79: {  	_ =	shalt  }
0x7a: {  	_ =	shalt  }
0x7b: {  	_ =	shalt  }
0x7c: {  	_ =	shalt  }
0x7d: {  	_ =	shalt  }
0x7e: {  	_ =	shalt  }
0x7f: {  	_ =	shalt  }
0x80: {  	_ =	shalt  }
0x81: {  	_ =	shalt  }
0x82: {  	_ =	shalt  }
0x83: {  	_ =	shalt  }
0x84: {  	_ =	shalt  }
0x85: {  	_ =	shalt  }
0x86: {  	_ =	shalt  }
0x87: {  	_ =	shalt  }
.Lfunc_end0:
.L_simem_size_0:
called_computation.1_lowered:
.L_overlay_start_0:
0x88: {  	s2 =	sld [smem:$0x3FD9]  }
0x89: {  	s3 =	sld [smem:$0x3FFE];
	_ =	sdelay $0x1  }
0x8a: {  	s1 =	srdreg.scid  }
0x8b: {  	s0 =	sand.u32 $0x1, s1  }
0x8c: {  	s16 =	sshll.u32 s0, $0xA;
	s2 =	sadd.s32 s3, s2  }
0x8d: {  	s2 =	sadd.s32 s2, s16  }
0x8e: {  	[smem:$0x3FBD] =	sst s2  }
0x8f: {  	_ = 	snop  }
0x90: {  	(tm) =	ssettm $0x1  }
0x91: {  	s17 =	sld [smem:$0x3FFB];
	_ =	sdelay $0x3  }
0x92: {  	_ =	strace s17  }
0x93: {  	s2 =	sld [smem:$0x3FFC];
	_ =	sdelay $0x3  }
0x94: {  	_ =	strace s2  }
0x95: {  	s2 =	sld [smem:$0x3FFD];
	_ =	sdelay $0x3  }
0x96: {  	_ =	strace s2  }
0x97: {  	_ =	strace $0x8FFFFFFF  }
0x98: {  	s18 =	sld [smem:$0x3FDB];
	_ =	sdelay $0x1  }
0x99: {  	s19 =	simm.s32 $_scs_section_size  }
0x9a: {  	s4 =	simm.s32 $_size__tile_overlayer_lowered;
	s5 =	simm.s32 $_tile_overlayer_lowered  }
0x9b: {  	s22 =	simm.s32 $0x1BFF;
	s21 =	sshll.u32 s5, $0x1;
	s2 =	sadd.s32 s19, s18  }
0x9c: {  	s6 =	simm.s32 $0x0;
	s20 =	sshll.u32 s4, $0x1;
	s4 =	sadd.s32 s21, s2  }
0x9d: {  	[timem:s6], [sflag:s22] =	dma.local [hbm:s4], s20  }
0x9e: {  	_ =	swait.ge [sflag:s22], s20  }
0x9f: {  	s3 =	ssub.s32 $0x0, s20;
	[sflag:s22] =	ssyncset.done $0x0  }
0xa0: {  	[sflag:s22] =	ssyncadd.s32 s3;
	_ =	sdelay $0x1  }
0xa1: {  	s23 =	simm.s32 $0x1B8B  }
0xa2: {  	_ =	swait.ge [sflag:s23], $0x1  }
0xa3: {  	[sflag:s23] =	ssyncset.done $0x0  }
0xa4: {  	s25 =	simm.s32 $0x1B8E;
	s24 =	sld [smem:$0x3FFE];
	[sflag:s23] =	ssyncadd.s32 $0xFFFFFFFF  }
0xa5: {  	s26 =	simm.s32 $execute0_lowered;
	[smem:$0x3FD2] =	sst s25  }
0xa6: {  	s4 =	sshll.u32 s26, $0x1;
	_ =	strace $0x80000049;
	[dreg:$0x1] =	wrdreg $0xFFFFFFFF  }
0xa7: {  	s28 =	simm.s32 $_size_execute0_lowered;
	s2 =	sadd.s32 s2, s4;
	[dreg:$0x0] =	wrdreg $0x0  }
0xa8: {  	s4 =	sshll.u32 s28, $0x1;
	[dreg:$0x2] =	wrdreg s2  }
0xa9: {  	[dreg:$0x3] =	wrdreg s4  }
0xaa: {  	[dreg:$0x4] =	wrdreg $0xC0  }
0xab: {  	_ =	task [dreg:s6], $0x5FFFF  }
0xac: {  	[dreg:$0x1] =	wrdreg $0xFFFFFFFF  }
0xad: {  	[dreg:$0x0] =	wrdreg $0x60  }
0xae: {  	[dreg:$0x2] =	wrdreg s24  }
0xaf: {  	[dreg:$0x3] =	wrdreg $0xA9000  }
0xb0: {  	[dreg:$0x4] =	wrdreg $0x9  }
0xb1: {  	_ =	task.clear_ibuf [dreg:s6], $0x5FFFF;
	_ =	strace $0x90000049  }
0xb2: {  	s29 =	simm.s32 $0x9;
	_ =	strace $0x8000004B  }
0xb3: {  	_ =	swait.ge [sflag:s29], $0x1  }
0xb4: {  	[sflag:s29] =	ssyncadd.s32 $0xFFFFFFFF  }
0xb5: {  	_ =	strace $0x9000004B  }
0xb6: {  	_ =	sfence  }
0xb7: {  	s30 =	sld [smem:$0x0];
	_ =	sdelay $0x2  }
0xb8: {  	s31 =	sshll.u32 s1, $0xD;
	s1 =	sshrl.u32 s1, $0x2  }
0xb9: {  	s3 =	sand.u32 $0x4000, s31;
	s1 =	sadd.s32 s1, s30  }
0xba: {  	s0 =	sor.u32 s3, s0;
	s1 =	sshll.u32 s1, $0x11  }
0xbb: {  	s0 =	sor.u32 s1, s0  }
0xbc: {  	s0 =	sadd.s32 $0x8F2B, s0  }
0xbd: {  	[sflag:s0] =	ssyncadd.remote.s32 $0x1  }
0xbe: {  	_ =	sfence.sel $0xFFFF  }
0xbf: {  	[dreg:$0x0] =	wrdreg $0xFFFFFFFF;
	(pc) =	sbr.abs _section_cstart, $3  }
0xc0: {  	[dreg:$0x1] =	wrdreg $0xFFFFFFFF  }
0xc1: {  	_ =	task.clear_ibuf [dreg:s6], $0x2FFFF;
	_ =	strace $0x9FFFFFFF  }
0xc2: {  	(tm) =	ssettm $0x7FFFFFFF  }
0xc3: {  	_ =	shalt  }
tec
execute0_lowered:
.L_overlay_start_1:
0x0: {  	(tag) =	ssettag $0x1  }
0x1: {  	s0 =	srdreg.scid;
	s7 =	rddreg [dreg:$0x0]  }
0x2: {  	s1 =	rddreg [dreg:$0x1];
	s12 =	stileid.u32  }
0x3: {  	s2 =	simm.s32 $0x0;
	s13 =	simm.s32 $0x4;
	s15 =	simm.s32 $0x3  }
0x4: {  	s16 =	simm.s32 $0x80;
	s17 =	simm.s32 $0x2900;
	s18 =	simm.s32 $0x1  }
0x5: {  	s19 =	simm.s32 $0x6900;
	s20 =	simm.s32 $0x2;
	s21 =	simm.s32 $0x2800  }
0x6: {  	s22 =	simm.s32 $0x0;
	s6 =	sand.u32 $0x1, s0;
	s0 =	rddreg [dreg:$0x2]  }
0x7: {  	[smem:$0x7FF] =	sst s2;
	s4 =	sadd.s32 $0x35000, s7;
	s3 =	sshll.u32 s6, $0x4  }
0x8: {  	s5 =	sadd.s32 $0x85000, s7;
	s9 =	smul.u32 $0x28000, s6;
	s3 =	sor.u32 s12, s3  }
0x9: {  	p0 =	sne.s32 s12, $0x0;
	_ =	strace $0x8000004A;
	s3 =	smul.u32 $0x2800, s3  }
.Ltmp0:
0xa: {  	s11 =	ssub.s32 $0x2, s6;
	s6 =	sadd.s32 $0xD000, s7;
	(pc) =	sbr.rel .LBB2_1-.Ltmp0, $4  }
0xb: {  	s14 =	sshrl.u32 @!p0 s1, $0x3;
	s31 =	sshrl.u32 s11, $0x1;
	s12 =	simm.s32 $0x100  }
0xc: {  	s9 =	sadd.s32 s9, s7;
	s11 =	ssub.s32 s11, s31;
	s8 =	sshrl.u32 s3, $0x3  }
0xd: {  	s9 =	sadd.s32 $0x8F000, s9;
	s10 =	sadd.s32 s8, s7;
	s8 =	sadd.s32 s5, s8  }
0xe: {  	s7 =	sadd.s32 $0x3000, s10;
	s10 =	smax.u32 s11, $0x1;
	s11 =	sadd.s32 $0x10, s8  }
.LBB2_3:
0xf: {  	[spmem:s1] =	stream.indirect.scatter.add.f32 [tilespmem:s29], [sflag:$0x2], $0x80, s21, s16, $0xb8;
	[tilespmem:$0x1E900] =	vst v63  }
.LBB2_5:
0x10: {  	_ =	swait.ge [sflag:s20], $0x4000  }
0x11: {  	[sflag:s20] =	ssyncset.done $0x0  }
0x12: {  	s22 =	sadd.s32 $0x1, s22;
	[sflag:s20] =	ssyncadd.s32 $0xFFFFC000  }
0x13: {  	s23 =	simm.s32 @!p0 $0x1C04;
	p1 =	sne.s32 s22, s10;
	[bflag:$0x0] =	sbarrier.arrive $0xFFFF  }
0x14: {  	[hbm:s9], [sflag:s23] =	dma.local @!p0 [spmem:s14], $0x28000  }
.Ltmp1:
0x15: {  	_ = 	snop;
	(pc) =	sbr.rel @!p1 .LBB2_6-.Ltmp1, $4  }
0x16: {  	s23 =	simm.s32 @!p0 $0x4  }
0x17: {  	_ =	swait.ge @!p0 [sflag:s23], $0x28000  }
0x18: {  	[sflag:s23] =	ssyncset.done @!p0 $0x0  }
0x19: {  	[sflag:s23] =	ssyncadd.s32 @!p0 $0xFFFD8000  }
.LBB2_1:
0x1a: {  	[tilespmem:s12], [sflag:$0x4] =	stream.linear.gather [hbm4b:s7+s2], $0x2780, $0x38;
	[tilespmem:$0x1E900] =	vst v63  }
0x1b: {  	_ =	swait.ge [sflag:s13], $0x2780  }
0x1c: {  	[sflag:s13] =	ssyncset.done $0x0  }
0x1d: {  	s23 =	simm.s32 @!p0 $0x1C04;
	[sflag:s13] =	ssyncadd.s32 $0xFFFFD880  }
0x1e: {  	[spmem:s14], [sflag:s23] =	dma.local @!p0 [hbm:s6], $0x28000  }
0x1f: {  	s23 =	simm.s32 @!p0 $0x4  }
0x20: {  	_ =	swait.ge @!p0 [sflag:s23], $0x28000  }
0x21: {  	[sflag:s23] =	ssyncset.done @!p0 $0x0  }
0x22: {  	[sflag:s23] =	ssyncadd.s32 @!p0 $0xFFFD8000  }
0x23: {  	[bflag:$0x0] =	sbarrier.arrive $0xFFFF  }
0x24: {  	[tilespmem:s2], [sflag:$0x3] =	stream.linear.gather [hbm4b:s8+s2], $0x80, $0x38;
	[tilespmem:$0x1E900] =	vst v63  }
0x25: {  	_ =	swait.ge [sflag:s15], $0x80  }
0x26: {  	[sflag:s15] =	ssyncset.done $0x0  }
0x27: {  	[sflag:s15] =	ssyncadd.s32 $0xFFFFFF80  }
0x28: {  	[tilespmem:s17], [sflag:$0x1] =	stream.indirect.gather [hbm4b:s4+s16], $0x80, s2, s16, $0xb8;
	[tilespmem:$0x1E900] =	vst v63  }
0x29: {  	_ = 	snop  }
0x2a: {  	[tilespmem:s16], [sflag:$0x3] =	stream.linear.gather [hbm4b:s11+s2], $0x80, $0x38;
	[tilespmem:$0x1E900] =	vst v63  }
0x2b: {  	_ =	swait.ge [sflag:s18], $0x4000  }
0x2c: {  	[sflag:s18] =	ssyncset.done $0x0  }
0x2d: {  	[sflag:s18] =	ssyncadd.s32 $0xFFFFC000  }
0x2e: {  	_ =	swait.ge [sflag:s15], $0x80  }
0x2f: {  	[sflag:s15] =	ssyncset.done $0x0  }
0x30: {  	s24 =	simm.s32 $0x10000;
	[sflag:s15] =	ssyncadd.s32 $0xFFFFFF80  }
0x31: {  	[tilespmem:s19], [sflag:$0x1] =	stream.indirect.gather [hbm4b:s4+s16], $0x80, s16, s16, $0xb8;
	[tilespmem:$0x1E900] =	vst v63  }
0x32: {  	s25 =	simm.s32 $0x100;
	s26 =	simm.s32 $0x2;
	s23 =	simm.s32 $0x180  }
0x33: {  	[spmem:s1] =	stream.indirect.scatter.add.f32 [tilespmem:s17], [sflag:$0x2], $0x80, s12, s16, $0xb8;
	[tilespmem:$0x1E900] =	vst v63  }
.LBB2_2:
0x34: {  	p1 =	seq.s32 s26, $0x4F  }
0x35: {  	s28 =	sand.u32 @!p1 $0x7C00, s25  }
0x36: {  	s29 =	sand.u32 @!p1 $0x380, s25;
	s28 =	sadd.s32 @!p1 s3, s28  }
0x37: {  	s29 =	sor.u32 @!p1 s29, s28  }
0x38: {  	s28 =	sand.u32 $0x1, s26;
	s29 =	sshrl.u32 @!p1 s29, $0x3  }
0x39: {  	s31 =	simm.s32 @!p1 $0x0;
	s30 =	sshll.u32 @!p1 s28, $0x7;
	s29 =	sadd.s32 @!p1 s5, s29  }
0x3a: {  	[tilespmem:s30], [sflag:$0x3] =	stream.linear.gather @!p1 [hbm4b:s29+s31], $0x80, $0x38;
	[tilespmem:$0x1E900] =	vst v63  }
0x3b: {  	p1 =	sne.s32 s26, $0x4F;
	_ =	swait.ge [sflag:s18], $0x4000  }
.Ltmp2:
0x3c: {  	[sflag:s18] =	ssyncset.done $0x0;
	(pc) =	sbr.rel @!p1 .LBB2_3-.Ltmp2, $4  }
0x3d: {  	[sflag:s18] =	ssyncadd.s32 $0xFFFFC000  }
0x3e: {  	s29 =	sand.u32 $0x10000, s24;
	_ =	swait.ge [sflag:s20], $0x4000  }
0x3f: {  	s29 =	sshrl.u32 s29, $0x2;
	[sflag:s20] =	ssyncset.done $0x0  }
0x40: {  	s29 =	sor.u32 $0x2900, s29;
	[sflag:s20] =	ssyncadd.s32 $0xFFFFC000  }
0x41: {  	_ =	swait.ge [sflag:s15], $0x80;
	s30 =	sshll.u32 s28, $0xE  }
0x42: {  	s31 =	sshll.u32 s28, $0x7;
	s26 =	sadd.s32 $0x1, s26;
	[sflag:s15] =	ssyncset.done $0x0  }
0x43: {  	s30 =	sor.u32 $0x2900, s30;
	p1 =	sne.s32 s26, $0x50;
	[sflag:s15] =	ssyncadd.s32 $0xFFFFFF80  }
0x44: {  	[tilespmem:s30], [sflag:$0x1] =	stream.indirect.gather [hbm4b:s4+s16], $0x80, s31, s16, $0xb8;
	[tilespmem:$0x1E900] =	vst v63  }
.Ltmp3:
0x45: {  	_ = 	snop;
	(pc) =	sbr.rel @p1 .LBB2_2-.Ltmp3, $4  }
.Ltmp4:
0x46: {  	_ = 	snop;
	(pc) =	sbr.rel @!p1 .LBB2_5-.Ltmp4, $4  }
0x47: {  	_ = 	snop  }
0x48: {  	[spmem:s1] =	stream.indirect.scatter.add.f32 [tilespmem:s29], [sflag:$0x2], $0x80, s23, s16, $0xb8;
	[tilespmem:$0x1E900] =	vst v63  }
0x49: {  	s25 =	sadd.s32 $0x80, s25;
	s24 =	sadd.s32 $0x10000, s24;
	s23 =	sadd.s32 $0x80, s23  }
0x4a: {  	_ = 	snop  }
.LBB2_6:
0x4b: {  	_ =	sfence.sel $0x180000  }
0x4c: {  	[bflag:$0x0] =	sbarrier.arrive $0xFFFF  }
0x4d: {  	_ =	strace $0x9000004A  }
0x4e: {  	s0 =	sadd.s32 @!p0 $0x100000, s0;
	[bflag:$0x2] =	sbarrier.arrive $0xFFFF  }
0x4f: {  	[sflag:s0] =	ssyncadd.tile.s32 @!p0 $0x1;
	_ =	shalt  }
.Lfunc_end2:
_tile_overlayer_lowered:
.L_overlay_start_2:
0x50: {  	(tag) =	ssettag $0x2  }
0x51: {  	s0 =	rddreg [dreg:$0x0];
	s2 =	stileid.u32  }
0x52: {  	s1 =	rddreg [dreg:$0x1];
	p0 =	sne.s32 s2, $0x0  }
0x53: {  	s3 =	rddreg [dreg:$0x2];
	[bflag:$0x3] =	sbarrier.arrive $0xFFFF;
	s2 =	simm.s32 @!p0 $0x1C04  }
0x54: {  	[timem:s3], [sflag:s2] =	dma.local @!p0 [hbm:s0], s1  }
0x55: {  	s0 =	simm.s32 @!p0 $0x4  }
0x56: {  	_ =	swait.ge @!p0 [sflag:s0], s1  }
0x57: {  	s1 =	ssub.s32 @!p0 $0x0, s1;
	[sflag:s0] =	ssyncset.done @!p0 $0x0  }
0x58: {  	[sflag:s0] =	ssyncadd.s32 @!p0 s1  }
0x59: {  	[bflag:$0x3] =	sbarrier.arrive $0xFFFF  }
0x5a: {  	_ =	shalt  }

// kernel: kernel.16.cloned.1.call-start
scs
__scs_entry_jumppad:
0x0: {  	(pc) =	sbr.rel $0x88, $3  }
0x1: {  	(tag) =	ssettag $0x0;
	lr =	simm.s32 $0x1  }
0x2: {  	[smem:$0x3F96] =	sst lr;
	_ =	strace $0xD0000000  }
0x3: {  	_ = 	snop  }
0x4: {  	_ = 	snop  }
0x5: {  	_ = 	snop  }
0x6: {  	_ = 	snop  }
0x7: {  	_ = 	snop  }
__scs_overlays_trampoline_lowered:
0x8: {  	[smem:$0x3FA5] =	sst s0  }
0x9: {  	[smem:$0x3FA6] =	sst s1  }
0xa: {  	[smem:$0x3FA7] =	sst s2  }
0xb: {  	[smem:$0x3FA8] =	sst s3  }
0xc: {  	[smem:$0x3FA9] =	sst s4  }
0xd: {  	[smem:$0x3FAA] =	sst s5  }
0xe: {  	[smem:$0x3FAB] =	sst s6  }
0xf: {  	[smem:$0x3FAC] =	sst s7  }
0x10: {  	[smem:$0x3FAD] =	sst s8  }
0x11: {  	[smem:$0x3FAE] =	sst s9;
	s0 =	simm.s32 @!p0 $0x0  }
0x12: {  	s1 =	sld [smem:$0x3F94];
	s0 =	simm.s32 @p0 $0x1  }
0x13: {  	[smem:$0x3FAF] =	sst s0;
	s0 =	simm.s32 @!p1 $0x0  }
0x14: {  	s2 =	sld [smem:$0x3F93];
	s0 =	simm.s32 @p1 $0x1  }
0x15: {  	[smem:$0x3FB0] =	sst s0;
	s0 =	simm.s32 @!p2 $0x0  }
0x16: {  	s3 =	sld [smem:$0x3FDB];
	s0 =	simm.s32 @p2 $0x1  }
0x17: {  	s4 =	simm.s32 $0x1BF5;
	[smem:$0x3FB2] =	sst s0  }
0x18: {  	s0 =	sld [smem:$0x3F95];
	_ =	swait.ge [sflag:s4], $0x0  }
0x19: {  	s7 =	sld [smem:$0x3F96]  }
0x1a: {  	s8 =	sadd.s32 $0xFFFFE003, lr  }
0x1b: {  	s9 =	sadd.s32 $0xFFFFFEF7, lr;
	s5 =	simm.s32 $0xFFFFFFFF;
	p2 =	slt.u32 s8, $0xFFFFF086  }
0x1c: {  	p1 =	slt.u32 s9, $0xF7A;
	s5 =	simm.s32 @!p2 $0x0  }
0x1d: {  	s5 =	simm.s32 @p1 $0x1;
	p0 =	seq.s32 s7, s2  }
0x1e: {  	s7 =	smul.u32 @!p0 $0xF7A, s2;
	p2 =	seq.s32 @!p0 s5, $0x0  }
0x1f: {  	s9 =	smul.u32 $0xF7A, s1;
	s8 =	simm.s32 @!p0 $0x1BF5;
	p2 =	por !p2, p0  }
0x20: {  	[sflag:s8] =	ssyncset.s32 @!p0 $0xFFFFF086;
	s6 =	sadd.s32 @!p0 s3, s7;
	s7 =	simm.s32 @!p0 $0x108  }
0x21: {  	s3 =	sadd.s32 s3, s9;
	s6 =	sadd.s32 @!p0 $0x88, s6;
	s7 =	simm.s32 @p2 $0x1082  }
0x22: {  	[simem:s7], [sflag:s8] =	dma.local @!p0 [hbm:s6], $0xF7A  }
0x23: {  	s9 =	sor.u32 $0xD0000000, s2;
	s6 =	simm.s32 $0x108;
	_ =	swait.ge @!p0 [sflag:s8], $0x0  }
0x24: {  	s3 =	sadd.s32 $0x88, s3;
	s6 =	simm.s32 @!p1 $0x1082;
	[sflag:s4] =	ssyncset.s32 $0xFFFFF086  }
0x25: {  	[simem:s6], [sflag:s4] =	dma.local [hbm:s3], $0xF7A  }
0x26: {  	[smem:$0x3F96] =	sst s1;
	(tag) =	ssettag s2;
	_ =	strace s9  }
0x27: {  	s1 =	sld [smem:$0x3FA6]  }
0x28: {  	s2 =	sld [smem:$0x3FA7]  }
0x29: {  	s4 =	sld [smem:$0x3FA9]  }
0x2a: {  	p0 =	seq.s32 s5, $0x0;
	s5 =	sld [smem:$0x3FAA]  }
0x2b: {  	s6 =	sld [smem:$0x3FAB]  }
0x2c: {  	s7 =	sld [smem:$0x3FAC]  }
0x2d: {  	s3 =	simm.s32 $0x108;
	s8 =	sld [smem:$0x3FAD]  }
0x2e: {  	s3 =	simm.s32 @!p0 $0x1082;
	s9 =	sld [smem:$0x3FAE]  }
0x2f: {  	lr =	sadd.s32 s0, s3;
	s0 =	sld [smem:$0x3FA5]  }
0x30: {  	s3 =	sld [smem:$0x3FA8]  }
0x31: {  	[smem:$0x3FB1] =	sst s10  }
0x32: {  	s10 =	sld [smem:$0x3FAF];
	_ =	sdelay $0x3  }
0x33: {  	p0 =	seq.s32 s10, $0x1;
	s10 =	sld [smem:$0x3FB1];
	_ =	sdelay $0x3  }
0x34: {  	[smem:$0x3FB1] =	sst s10  }
0x35: {  	s10 =	sld [smem:$0x3FB0];
	_ =	sdelay $0x3  }
0x36: {  	p1 =	seq.s32 s10, $0x1;
	s10 =	sld [smem:$0x3FB1];
	_ =	sdelay $0x3  }
0x37: {  	[smem:$0x3FB1] =	sst s10  }
0x38: {  	s10 =	sld [smem:$0x3FB2]  }
0x39: {  	_ = 	snop;
	(pc) =	sbr.ind lr, $3  }
0x3a: {  	_ = 	snop  }
0x3b: {  	_ = 	snop  }
0x3c: {  	p2 =	seq.s32 s10, $0x1;
	s10 =	sld [smem:$0x3FB1]  }
0x3d: {  	_ =	shalt  }
0x3e: {  	_ =	shalt  }
0x3f: {  	_ =	shalt  }
0x40: {  	_ =	shalt  }
0x41: {  	_ =	shalt  }
0x42: {  	_ =	shalt  }
0x43: {  	_ =	shalt  }
0x44: {  	_ =	shalt  }
0x45: {  	_ =	shalt  }
0x46: {  	_ =	shalt  }
0x47: {  	_ =	shalt  }
0x48: {  	_ =	shalt  }
0x49: {  	_ =	shalt  }
0x4a: {  	_ =	shalt  }
0x4b: {  	_ =	shalt  }
0x4c: {  	_ =	shalt  }
0x4d: {  	_ =	shalt  }
0x4e: {  	_ =	shalt  }
0x4f: {  	_ =	shalt  }
0x50: {  	_ =	shalt  }
0x51: {  	_ =	shalt  }
0x52: {  	_ =	shalt  }
0x53: {  	_ =	shalt  }
0x54: {  	_ =	shalt  }
0x55: {  	_ =	shalt  }
0x56: {  	_ =	shalt  }
0x57: {  	_ =	shalt  }
0x58: {  	_ =	shalt  }
0x59: {  	_ =	shalt  }
0x5a: {  	_ =	shalt  }
0x5b: {  	_ =	shalt  }
0x5c: {  	_ =	shalt  }
0x5d: {  	_ =	shalt  }
0x5e: {  	_ =	shalt  }
0x5f: {  	_ =	shalt  }
0x60: {  	_ =	shalt  }
0x61: {  	_ =	shalt  }
0x62: {  	_ =	shalt  }
0x63: {  	_ =	shalt  }
0x64: {  	_ =	shalt  }
0x65: {  	_ =	shalt  }
0x66: {  	_ =	shalt  }
0x67: {  	_ =	shalt  }
0x68: {  	_ =	shalt  }
0x69: {  	_ =	shalt  }
0x6a: {  	_ =	shalt  }
0x6b: {  	_ =	shalt  }
0x6c: {  	_ =	shalt  }
0x6d: {  	_ =	shalt  }
0x6e: {  	_ =	shalt  }
0x6f: {  	_ =	shalt  }
0x70: {  	_ =	shalt  }
0x71: {  	_ =	shalt  }
0x72: {  	_ =	shalt  }
0x73: {  	_ =	shalt  }
0x74: {  	_ =	shalt  }
0x75: {  	_ =	shalt  }
0x76: {  	_ =	shalt  }
0x77: {  	_ =	shalt  }
0x78: {  	_ =	shalt  }
0x79: {  	_ =	shalt  }
0x7a: {  	_ =	shalt  }
0x7b: {  	_ =	shalt  }
0x7c: {  	_ =	shalt  }
0x7d: {  	_ =	shalt  }
0x7e: {  	_ =	shalt  }
0x7f: {  	_ =	shalt  }
0x80: {  	_ =	shalt  }
0x81: {  	_ =	shalt  }
0x82: {  	_ =	shalt  }
0x83: {  	_ =	shalt  }
0x84: {  	_ =	shalt  }
0x85: {  	_ =	shalt  }
0x86: {  	_ =	shalt  }
0x87: {  	_ =	shalt  }
.Lfunc_end0:
.L_simem_size_0:
called_computation.2_lowered:
.L_overlay_start_0:
0x88: {  	s2 =	sld [smem:$0x3FD9]  }
0x89: {  	s3 =	sld [smem:$0x3FFE];
	_ =	sdelay $0x1  }
0x8a: {  	s1 =	srdreg.scid  }
0x8b: {  	s0 =	sand.u32 $0x1, s1  }
0x8c: {  	s16 =	sshll.u32 s0, $0xA;
	s2 =	sadd.s32 s3, s2  }
0x8d: {  	s2 =	sadd.s32 s2, s16  }
0x8e: {  	[smem:$0x3FBD] =	sst s2  }
0x8f: {  	_ = 	snop  }
0x90: {  	(tm) =	ssettm $0x1  }
0x91: {  	s17 =	sld [smem:$0x3FFB];
	_ =	sdelay $0x3  }
0x92: {  	_ =	strace s17  }
0x93: {  	s2 =	sld [smem:$0x3FFC];
	_ =	sdelay $0x3  }
0x94: {  	_ =	strace s2  }
0x95: {  	s2 =	sld [smem:$0x3FFD];
	_ =	sdelay $0x3  }
0x96: {  	_ =	strace s2  }
0x97: {  	_ =	strace $0x8FFFFFFF  }
0x98: {  	s18 =	sld [smem:$0x3FDB];
	_ =	sdelay $0x1  }
0x99: {  	s19 =	simm.s32 $_scs_section_size  }
0x9a: {  	s4 =	simm.s32 $_size__tile_overlayer_lowered;
	s5 =	simm.s32 $_tile_overlayer_lowered  }
0x9b: {  	s22 =	simm.s32 $0x1BFF;
	s21 =	sshll.u32 s5, $0x1;
	s2 =	sadd.s32 s19, s18  }
0x9c: {  	s6 =	simm.s32 $0x0;
	s20 =	sshll.u32 s4, $0x1;
	s4 =	sadd.s32 s21, s2  }
0x9d: {  	[timem:s6], [sflag:s22] =	dma.local [hbm:s4], s20  }
0x9e: {  	_ =	swait.ge [sflag:s22], s20  }
0x9f: {  	s3 =	ssub.s32 $0x0, s20;
	[sflag:s22] =	ssyncset.done $0x0  }
0xa0: {  	[sflag:s22] =	ssyncadd.s32 s3;
	_ =	sdelay $0x1  }
0xa1: {  	s23 =	simm.s32 $0x1B8B  }
0xa2: {  	_ =	swait.ge [sflag:s23], $0x1  }
0xa3: {  	[sflag:s23] =	ssyncset.done $0x0  }
0xa4: {  	s25 =	simm.s32 $0x1B8E;
	s24 =	sld [smem:$0x3FFE];
	[sflag:s23] =	ssyncadd.s32 $0xFFFFFFFF  }
0xa5: {  	s26 =	simm.s32 $execute0_lowered;
	[smem:$0x3FD2] =	sst s25  }
0xa6: {  	s4 =	sshll.u32 s26, $0x1;
	_ =	strace $0x8000004C;
	[dreg:$0x1] =	wrdreg $0xFFFFFFFF  }
0xa7: {  	s28 =	simm.s32 $_size_execute0_lowered;
	s2 =	sadd.s32 s2, s4;
	[dreg:$0x0] =	wrdreg $0x0  }
0xa8: {  	s4 =	sshll.u32 s28, $0x1;
	[dreg:$0x2] =	wrdreg s2  }
0xa9: {  	[dreg:$0x3] =	wrdreg s4  }
0xaa: {  	[dreg:$0x4] =	wrdreg $0xC0  }
0xab: {  	_ =	task [dreg:s6], $0x5FFFF  }
0xac: {  	[dreg:$0x1] =	wrdreg $0xFFFFFFFF  }
0xad: {  	[dreg:$0x0] =	wrdreg $0x60  }
0xae: {  	[dreg:$0x2] =	wrdreg s24  }
0xaf: {  	[dreg:$0x3] =	wrdreg $0xA9000  }
0xb0: {  	[dreg:$0x4] =	wrdreg $0x9  }
0xb1: {  	_ =	task.clear_ibuf [dreg:s6], $0x5FFFF;
	_ =	strace $0x9000004C  }
0xb2: {  	s29 =	simm.s32 $0x9;
	_ =	strace $0x8000004E  }
0xb3: {  	_ =	swait.ge [sflag:s29], $0x1  }
0xb4: {  	[sflag:s29] =	ssyncadd.s32 $0xFFFFFFFF  }
0xb5: {  	_ =	strace $0x9000004E  }
0xb6: {  	_ =	sfence  }
0xb7: {  	s30 =	sld [smem:$0x0];
	_ =	sdelay $0x2  }
0xb8: {  	s31 =	sshll.u32 s1, $0xD;
	s1 =	sshrl.u32 s1, $0x2  }
0xb9: {  	s3 =	sand.u32 $0x4000, s31;
	s1 =	sadd.s32 s1, s30  }
0xba: {  	s0 =	sor.u32 s3, s0;
	s1 =	sshll.u32 s1, $0x11  }
0xbb: {  	s0 =	sor.u32 s1, s0  }
0xbc: {  	s0 =	sadd.s32 $0x8F2B, s0  }
0xbd: {  	[sflag:s0] =	ssyncadd.remote.s32 $0x1  }
0xbe: {  	_ =	sfence.sel $0xFFFF  }
0xbf: {  	[dreg:$0x0] =	wrdreg $0xFFFFFFFF;
	(pc) =	sbr.abs _section_cstart, $3  }
0xc0: {  	[dreg:$0x1] =	wrdreg $0xFFFFFFFF  }
0xc1: {  	_ =	task.clear_ibuf [dreg:s6], $0x2FFFF;
	_ =	strace $0x9FFFFFFF  }
0xc2: {  	(tm) =	ssettm $0x7FFFFFFF  }
0xc3: {  	_ =	shalt  }
tec
execute0_lowered:
.L_overlay_start_1:
0x0: {  	(tag) =	ssettag $0x1  }
0x1: {  	s0 =	srdreg.scid;
	s7 =	rddreg [dreg:$0x0]  }
0x2: {  	s1 =	rddreg [dreg:$0x1];
	s12 =	stileid.u32  }
0x3: {  	s2 =	simm.s32 $0x0;
	s13 =	simm.s32 $0x4;
	s15 =	simm.s32 $0x3  }
0x4: {  	s16 =	simm.s32 $0x80;
	s17 =	simm.s32 $0x2900;
	s18 =	simm.s32 $0x1  }
0x5: {  	s19 =	simm.s32 $0x6900;
	s20 =	simm.s32 $0x2;
	s21 =	simm.s32 $0x2800  }
0x6: {  	s22 =	simm.s32 $0x0;
	s6 =	sand.u32 $0x1, s0;
	s0 =	rddreg [dreg:$0x2]  }
0x7: {  	[smem:$0x7FF] =	sst s2;
	s4 =	sadd.s32 $0x35000, s7;
	s3 =	sshll.u32 s6, $0x4  }
0x8: {  	s5 =	sadd.s32 $0x85000, s7;
	s9 =	smul.u32 $0x28000, s6;
	s3 =	sor.u32 s12, s3  }
0x9: {  	p0 =	sne.s32 s12, $0x0;
	_ =	strace $0x8000004D;
	s3 =	smul.u32 $0x2800, s3  }
.Ltmp0:
0xa: {  	s11 =	ssub.s32 $0x2, s6;
	s6 =	sadd.s32 $0xD000, s7;
	(pc) =	sbr.rel .LBB2_1-.Ltmp0, $4  }
0xb: {  	s14 =	sshrl.u32 @!p0 s1, $0x3;
	s31 =	sshrl.u32 s11, $0x1;
	s12 =	simm.s32 $0x100  }
0xc: {  	s9 =	sadd.s32 s9, s7;
	s11 =	ssub.s32 s11, s31;
	s8 =	sshrl.u32 s3, $0x3  }
0xd: {  	s9 =	sadd.s32 $0x8F000, s9;
	s10 =	sadd.s32 s8, s7;
	s8 =	sadd.s32 s5, s8  }
0xe: {  	s7 =	sadd.s32 $0x3000, s10;
	s10 =	smax.u32 s11, $0x1;
	s11 =	sadd.s32 $0x10, s8  }
.LBB2_3:
0xf: {  	[spmem:s1] =	stream.indirect.scatter.add.f32 [tilespmem:s29], [sflag:$0x2], $0x80, s21, s16, $0xb8;
	[tilespmem:$0x1E900] =	vst v63  }
.LBB2_5:
0x10: {  	_ =	swait.ge [sflag:s20], $0x4000  }
0x11: {  	[sflag:s20] =	ssyncset.done $0x0  }
0x12: {  	s22 =	sadd.s32 $0x1, s22;
	[sflag:s20] =	ssyncadd.s32 $0xFFFFC000  }
0x13: {  	s23 =	simm.s32 @!p0 $0x1C04;
	p1 =	sne.s32 s22, s10;
	[bflag:$0x0] =	sbarrier.arrive $0xFFFF  }
0x14: {  	[hbm:s9], [sflag:s23] =	dma.local @!p0 [spmem:s14], $0x28000  }
.Ltmp1:
0x15: {  	_ = 	snop;
	(pc) =	sbr.rel @!p1 .LBB2_6-.Ltmp1, $4  }
0x16: {  	s23 =	simm.s32 @!p0 $0x4  }
0x17: {  	_ =	swait.ge @!p0 [sflag:s23], $0x28000  }
0x18: {  	[sflag:s23] =	ssyncset.done @!p0 $0x0  }
0x19: {  	[sflag:s23] =	ssyncadd.s32 @!p0 $0xFFFD8000  }
.LBB2_1:
0x1a: {  	[tilespmem:s12], [sflag:$0x4] =	stream.linear.gather [hbm4b:s7+s2], $0x2780, $0x38;
	[tilespmem:$0x1E900] =	vst v63  }
0x1b: {  	_ =	swait.ge [sflag:s13], $0x2780  }
0x1c: {  	[sflag:s13] =	ssyncset.done $0x0  }
0x1d: {  	s23 =	simm.s32 @!p0 $0x1C04;
	[sflag:s13] =	ssyncadd.s32 $0xFFFFD880  }
0x1e: {  	[spmem:s14], [sflag:s23] =	dma.local @!p0 [hbm:s6], $0x28000  }
0x1f: {  	s23 =	simm.s32 @!p0 $0x4  }
0x20: {  	_ =	swait.ge @!p0 [sflag:s23], $0x28000  }
0x21: {  	[sflag:s23] =	ssyncset.done @!p0 $0x0  }
0x22: {  	[sflag:s23] =	ssyncadd.s32 @!p0 $0xFFFD8000  }
0x23: {  	[bflag:$0x0] =	sbarrier.arrive $0xFFFF  }
0x24: {  	[tilespmem:s2], [sflag:$0x3] =	stream.linear.gather [hbm4b:s8+s2], $0x80, $0x38;
	[tilespmem:$0x1E900] =	vst v63  }
0x25: {  	_ =	swait.ge [sflag:s15], $0x80  }
0x26: {  	[sflag:s15] =	ssyncset.done $0x0  }
0x27: {  	[sflag:s15] =	ssyncadd.s32 $0xFFFFFF80  }
0x28: {  	[tilespmem:s17], [sflag:$0x1] =	stream.indirect.gather [hbm4b:s4+s16], $0x80, s2, s16, $0xb8;
	[tilespmem:$0x1E900] =	vst v63  }
0x29: {  	_ = 	snop  }
0x2a: {  	[tilespmem:s16], [sflag:$0x3] =	stream.linear.gather [hbm4b:s11+s2], $0x80, $0x38;
	[tilespmem:$0x1E900] =	vst v63  }
0x2b: {  	_ =	swait.ge [sflag:s18], $0x4000  }
0x2c: {  	[sflag:s18] =	ssyncset.done $0x0  }
0x2d: {  	[sflag:s18] =	ssyncadd.s32 $0xFFFFC000  }
0x2e: {  	_ =	swait.ge [sflag:s15], $0x80  }
0x2f: {  	[sflag:s15] =	ssyncset.done $0x0  }
0x30: {  	s24 =	simm.s32 $0x10000;
	[sflag:s15] =	ssyncadd.s32 $0xFFFFFF80  }
0x31: {  	[tilespmem:s19], [sflag:$0x1] =	stream.indirect.gather [hbm4b:s4+s16], $0x80, s16, s16, $0xb8;
	[tilespmem:$0x1E900] =	vst v63  }
0x32: {  	s25 =	simm.s32 $0x100;
	s26 =	simm.s32 $0x2;
	s23 =	simm.s32 $0x180  }
0x33: {  	[spmem:s1] =	stream.indirect.scatter.add.f32 [tilespmem:s17], [sflag:$0x2], $0x80, s12, s16, $0xb8;
	[tilespmem:$0x1E900] =	vst v63  }
.LBB2_2:
0x34: {  	p1 =	seq.s32 s26, $0x4F  }
0x35: {  	s28 =	sand.u32 @!p1 $0x7C00, s25  }
0x36: {  	s29 =	sand.u32 @!p1 $0x380, s25;
	s28 =	sadd.s32 @!p1 s3, s28  }
0x37: {  	s29 =	sor.u32 @!p1 s29, s28  }
0x38: {  	s28 =	sand.u32 $0x1, s26;
	s29 =	sshrl.u32 @!p1 s29, $0x3  }
0x39: {  	s31 =	simm.s32 @!p1 $0x0;
	s30 =	sshll.u32 @!p1 s28, $0x7;
	s29 =	sadd.s32 @!p1 s5, s29  }
0x3a: {  	[tilespmem:s30], [sflag:$0x3] =	stream.linear.gather @!p1 [hbm4b:s29+s31], $0x80, $0x38;
	[tilespmem:$0x1E900] =	vst v63  }
0x3b: {  	p1 =	sne.s32 s26, $0x4F;
	_ =	swait.ge [sflag:s18], $0x4000  }
.Ltmp2:
0x3c: {  	[sflag:s18] =	ssyncset.done $0x0;
	(pc) =	sbr.rel @!p1 .LBB2_3-.Ltmp2, $4  }
0x3d: {  	[sflag:s18] =	ssyncadd.s32 $0xFFFFC000  }
0x3e: {  	s29 =	sand.u32 $0x10000, s24;
	_ =	swait.ge [sflag:s20], $0x4000  }
0x3f: {  	s29 =	sshrl.u32 s29, $0x2;
	[sflag:s20] =	ssyncset.done $0x0  }
0x40: {  	s29 =	sor.u32 $0x2900, s29;
	[sflag:s20] =	ssyncadd.s32 $0xFFFFC000  }
0x41: {  	_ =	swait.ge [sflag:s15], $0x80;
	s30 =	sshll.u32 s28, $0xE  }
0x42: {  	s31 =	sshll.u32 s28, $0x7;
	s26 =	sadd.s32 $0x1, s26;
	[sflag:s15] =	ssyncset.done $0x0  }
0x43: {  	s30 =	sor.u32 $0x2900, s30;
	p1 =	sne.s32 s26, $0x50;
	[sflag:s15] =	ssyncadd.s32 $0xFFFFFF80  }
0x44: {  	[tilespmem:s30], [sflag:$0x1] =	stream.indirect.gather [hbm4b:s4+s16], $0x80, s31, s16, $0xb8;
	[tilespmem:$0x1E900] =	vst v63  }
.Ltmp3:
0x45: {  	_ = 	snop;
	(pc) =	sbr.rel @p1 .LBB2_2-.Ltmp3, $4  }
.Ltmp4:
0x46: {  	_ = 	snop;
	(pc) =	sbr.rel @!p1 .LBB2_5-.Ltmp4, $4  }
0x47: {  	_ = 	snop  }
0x48: {  	[spmem:s1] =	stream.indirect.scatter.add.f32 [tilespmem:s29], [sflag:$0x2], $0x80, s23, s16, $0xb8;
	[tilespmem:$0x1E900] =	vst v63  }
0x49: {  	s25 =	sadd.s32 $0x80, s25;
	s24 =	sadd.s32 $0x10000, s24;
	s23 =	sadd.s32 $0x80, s23  }
0x4a: {  	_ = 	snop  }
.LBB2_6:
0x4b: {  	_ =	sfence.sel $0x180000  }
0x4c: {  	[bflag:$0x0] =	sbarrier.arrive $0xFFFF  }
0x4d: {  	_ =	strace $0x9000004D  }
0x4e: {  	s0 =	sadd.s32 @!p0 $0x100000, s0;
	[bflag:$0x2] =	sbarrier.arrive $0xFFFF  }
0x4f: {  	[sflag:s0] =	ssyncadd.tile.s32 @!p0 $0x1;
	_ =	shalt  }
.Lfunc_end2:
_tile_overlayer_lowered:
.L_overlay_start_2:
0x50: {  	(tag) =	ssettag $0x2  }
0x51: {  	s0 =	rddreg [dreg:$0x0];
	s2 =	stileid.u32  }
0x52: {  	s1 =	rddreg [dreg:$0x1];
	p0 =	sne.s32 s2, $0x0  }
0x53: {  	s3 =	rddreg [dreg:$0x2];
	[bflag:$0x3] =	sbarrier.arrive $0xFFFF;
	s2 =	simm.s32 @!p0 $0x1C04  }
0x54: {  	[timem:s3], [sflag:s2] =	dma.local @!p0 [hbm:s0], s1  }
0x55: {  	s0 =	simm.s32 @!p0 $0x4  }
0x56: {  	_ =	swait.ge @!p0 [sflag:s0], s1  }
0x57: {  	s1 =	ssub.s32 @!p0 $0x0, s1;
	[sflag:s0] =	ssyncset.done @!p0 $0x0  }
0x58: {  	[sflag:s0] =	ssyncadd.s32 @!p0 s1  }
0x59: {  	[bflag:$0x3] =	sbarrier.arrive $0xFFFF  }
0x5a: {  	_ =	shalt  }

// kernel: kernel.19.cloned.1.call-start
scs
__scs_entry_jumppad:
0x0: {  	(pc) =	sbr.rel $0x88, $3  }
0x1: {  	(tag) =	ssettag $0x0;
	lr =	simm.s32 $0x1  }
0x2: {  	[smem:$0x3F96] =	sst lr;
	_ =	strace $0xD0000000  }
0x3: {  	_ = 	snop  }
0x4: {  	_ = 	snop  }
0x5: {  	_ = 	snop  }
0x6: {  	_ = 	snop  }
0x7: {  	_ = 	snop  }
__scs_overlays_trampoline_lowered:
0x8: {  	[smem:$0x3FA5] =	sst s0  }
0x9: {  	[smem:$0x3FA6] =	sst s1  }
0xa: {  	[smem:$0x3FA7] =	sst s2  }
0xb: {  	[smem:$0x3FA8] =	sst s3  }
0xc: {  	[smem:$0x3FA9] =	sst s4  }
0xd: {  	[smem:$0x3FAA] =	sst s5  }
0xe: {  	[smem:$0x3FAB] =	sst s6  }
0xf: {  	[smem:$0x3FAC] =	sst s7  }
0x10: {  	[smem:$0x3FAD] =	sst s8  }
0x11: {  	[smem:$0x3FAE] =	sst s9;
	s0 =	simm.s32 @!p0 $0x0  }
0x12: {  	s1 =	sld [smem:$0x3F94];
	s0 =	simm.s32 @p0 $0x1  }
0x13: {  	[smem:$0x3FAF] =	sst s0;
	s0 =	simm.s32 @!p1 $0x0  }
0x14: {  	s2 =	sld [smem:$0x3F93];
	s0 =	simm.s32 @p1 $0x1  }
0x15: {  	[smem:$0x3FB0] =	sst s0;
	s0 =	simm.s32 @!p2 $0x0  }
0x16: {  	s3 =	sld [smem:$0x3FDB];
	s0 =	simm.s32 @p2 $0x1  }
0x17: {  	s4 =	simm.s32 $0x1BF5;
	[smem:$0x3FB2] =	sst s0  }
0x18: {  	s0 =	sld [smem:$0x3F95];
	_ =	swait.ge [sflag:s4], $0x0  }
0x19: {  	s7 =	sld [smem:$0x3F96]  }
0x1a: {  	s8 =	sadd.s32 $0xFFFFE003, lr  }
0x1b: {  	s9 =	sadd.s32 $0xFFFFFEF7, lr;
	s5 =	simm.s32 $0xFFFFFFFF;
	p2 =	slt.u32 s8, $0xFFFFF086  }
0x1c: {  	p1 =	slt.u32 s9, $0xF7A;
	s5 =	simm.s32 @!p2 $0x0  }
0x1d: {  	s5 =	simm.s32 @p1 $0x1;
	p0 =	seq.s32 s7, s2  }
0x1e: {  	s7 =	smul.u32 @!p0 $0xF7A, s2;
	p2 =	seq.s32 @!p0 s5, $0x0  }
0x1f: {  	s9 =	smul.u32 $0xF7A, s1;
	s8 =	simm.s32 @!p0 $0x1BF5;
	p2 =	por !p2, p0  }
0x20: {  	[sflag:s8] =	ssyncset.s32 @!p0 $0xFFFFF086;
	s6 =	sadd.s32 @!p0 s3, s7;
	s7 =	simm.s32 @!p0 $0x108  }
0x21: {  	s3 =	sadd.s32 s3, s9;
	s6 =	sadd.s32 @!p0 $0x88, s6;
	s7 =	simm.s32 @p2 $0x1082  }
0x22: {  	[simem:s7], [sflag:s8] =	dma.local @!p0 [hbm:s6], $0xF7A  }
0x23: {  	s9 =	sor.u32 $0xD0000000, s2;
	s6 =	simm.s32 $0x108;
	_ =	swait.ge @!p0 [sflag:s8], $0x0  }
0x24: {  	s3 =	sadd.s32 $0x88, s3;
	s6 =	simm.s32 @!p1 $0x1082;
	[sflag:s4] =	ssyncset.s32 $0xFFFFF086  }
0x25: {  	[simem:s6], [sflag:s4] =	dma.local [hbm:s3], $0xF7A  }
0x26: {  	[smem:$0x3F96] =	sst s1;
	(tag) =	ssettag s2;
	_ =	strace s9  }
0x27: {  	s1 =	sld [smem:$0x3FA6]  }
0x28: {  	s2 =	sld [smem:$0x3FA7]  }
0x29: {  	s4 =	sld [smem:$0x3FA9]  }
0x2a: {  	p0 =	seq.s32 s5, $0x0;
	s5 =	sld [smem:$0x3FAA]  }
0x2b: {  	s6 =	sld [smem:$0x3FAB]  }
0x2c: {  	s7 =	sld [smem:$0x3FAC]  }
0x2d: {  	s3 =	simm.s32 $0x108;
	s8 =	sld [smem:$0x3FAD]  }
0x2e: {  	s3 =	simm.s32 @!p0 $0x1082;
	s9 =	sld [smem:$0x3FAE]  }
0x2f: {  	lr =	sadd.s32 s0, s3;
	s0 =	sld [smem:$0x3FA5]  }
0x30: {  	s3 =	sld [smem:$0x3FA8]  }
0x31: {  	[smem:$0x3FB1] =	sst s10  }
0x32: {  	s10 =	sld [smem:$0x3FAF];
	_ =	sdelay $0x3  }
0x33: {  	p0 =	seq.s32 s10, $0x1;
	s10 =	sld [smem:$0x3FB1];
	_ =	sdelay $0x3  }
0x34: {  	[smem:$0x3FB1] =	sst s10  }
0x35: {  	s10 =	sld [smem:$0x3FB0];
	_ =	sdelay $0x3  }
0x36: {  	p1 =	seq.s32 s10, $0x1;
	s10 =	sld [smem:$0x3FB1];
	_ =	sdelay $0x3  }
0x37: {  	[smem:$0x3FB1] =	sst s10  }
0x38: {  	s10 =	sld [smem:$0x3FB2]  }
0x39: {  	_ = 	snop;
	(pc) =	sbr.ind lr, $3  }
0x3a: {  	_ = 	snop  }
0x3b: {  	_ = 	snop  }
0x3c: {  	p2 =	seq.s32 s10, $0x1;
	s10 =	sld [smem:$0x3FB1]  }
0x3d: {  	_ =	shalt  }
0x3e: {  	_ =	shalt  }
0x3f: {  	_ =	shalt  }
0x40: {  	_ =	shalt  }
0x41: {  	_ =	shalt  }
0x42: {  	_ =	shalt  }
0x43: {  	_ =	shalt  }
0x44: {  	_ =	shalt  }
0x45: {  	_ =	shalt  }
0x46: {  	_ =	shalt  }
0x47: {  	_ =	shalt  }
0x48: {  	_ =	shalt  }
0x49: {  	_ =	shalt  }
0x4a: {  	_ =	shalt  }
0x4b: {  	_ =	shalt  }
0x4c: {  	_ =	shalt  }
0x4d: {  	_ =	shalt  }
0x4e: {  	_ =	shalt  }
0x4f: {  	_ =	shalt  }
0x50: {  	_ =	shalt  }
0x51: {  	_ =	shalt  }
0x52: {  	_ =	shalt  }
0x53: {  	_ =	shalt  }
0x54: {  	_ =	shalt  }
0x55: {  	_ =	shalt  }
0x56: {  	_ =	shalt  }
0x57: {  	_ =	shalt  }
0x58: {  	_ =	shalt  }
0x59: {  	_ =	shalt  }
0x5a: {  	_ =	shalt  }
0x5b: {  	_ =	shalt  }
0x5c: {  	_ =	shalt  }
0x5d: {  	_ =	shalt  }
0x5e: {  	_ =	shalt  }
0x5f: {  	_ =	shalt  }
0x60: {  	_ =	shalt  }
0x61: {  	_ =	shalt  }
0x62: {  	_ =	shalt  }
0x63: {  	_ =	shalt  }
0x64: {  	_ =	shalt  }
0x65: {  	_ =	shalt  }
0x66: {  	_ =	shalt  }
0x67: {  	_ =	shalt  }
0x68: {  	_ =	shalt  }
0x69: {  	_ =	shalt  }
0x6a: {  	_ =	shalt  }
0x6b: {  	_ =	shalt  }
0x6c: {  	_ =	shalt  }
0x6d: {  	_ =	shalt  }
0x6e: {  	_ =	shalt  }
0x6f: {  	_ =	shalt  }
0x70: {  	_ =	shalt  }
0x71: {  	_ =	shalt  }
0x72: {  	_ =	shalt  }
0x73: {  	_ =	shalt  }
0x74: {  	_ =	shalt  }
0x75: {  	_ =	shalt  }
0x76: {  	_ =	shalt  }
0x77: {  	_ =	shalt  }
0x78: {  	_ =	shalt  }
0x79: {  	_ =	shalt  }
0x7a: {  	_ =	shalt  }
0x7b: {  	_ =	shalt  }
0x7c: {  	_ =	shalt  }
0x7d: {  	_ =	shalt  }
0x7e: {  	_ =	shalt  }
0x7f: {  	_ =	shalt  }
0x80: {  	_ =	shalt  }
0x81: {  	_ =	shalt  }
0x82: {  	_ =	shalt  }
0x83: {  	_ =	shalt  }
0x84: {  	_ =	shalt  }
0x85: {  	_ =	shalt  }
0x86: {  	_ =	shalt  }
0x87: {  	_ =	shalt  }
.Lfunc_end0:
.L_simem_size_0:
called_computation.3_lowered:
.L_overlay_start_0:
0x88: {  	s2 =	sld [smem:$0x3FD9]  }
0x89: {  	s3 =	sld [smem:$0x3FFE];
	_ =	sdelay $0x1  }
0x8a: {  	s1 =	srdreg.scid  }
0x8b: {  	s0 =	sand.u32 $0x1, s1  }
0x8c: {  	s16 =	sshll.u32 s0, $0xA;
	s2 =	sadd.s32 s3, s2  }
0x8d: {  	s2 =	sadd.s32 s2, s16  }
0x8e: {  	[smem:$0x3FBD] =	sst s2  }
0x8f: {  	_ = 	snop  }
0x90: {  	(tm) =	ssettm $0x1  }
0x91: {  	s17 =	sld [smem:$0x3FFB];
	_ =	sdelay $0x3  }
0x92: {  	_ =	strace s17  }
0x93: {  	s2 =	sld [smem:$0x3FFC];
	_ =	sdelay $0x3  }
0x94: {  	_ =	strace s2  }
0x95: {  	s2 =	sld [smem:$0x3FFD];
	_ =	sdelay $0x3  }
0x96: {  	_ =	strace s2  }
0x97: {  	_ =	strace $0x8FFFFFFF  }
0x98: {  	s18 =	sld [smem:$0x3FDB];
	_ =	sdelay $0x1  }
0x99: {  	s19 =	simm.s32 $_scs_section_size  }
0x9a: {  	s4 =	simm.s32 $_size__tile_overlayer_lowered;
	s5 =	simm.s32 $_tile_overlayer_lowered  }
0x9b: {  	s22 =	simm.s32 $0x1BFF;
	s21 =	sshll.u32 s5, $0x1;
	s2 =	sadd.s32 s19, s18  }
0x9c: {  	s6 =	simm.s32 $0x0;
	s20 =	sshll.u32 s4, $0x1;
	s4 =	sadd.s32 s21, s2  }
0x9d: {  	[timem:s6], [sflag:s22] =	dma.local [hbm:s4], s20  }
0x9e: {  	_ =	swait.ge [sflag:s22], s20  }
0x9f: {  	s3 =	ssub.s32 $0x0, s20;
	[sflag:s22] =	ssyncset.done $0x0  }
0xa0: {  	[sflag:s22] =	ssyncadd.s32 s3;
	_ =	sdelay $0x1  }
0xa1: {  	s23 =	simm.s32 $0x1B8B  }
0xa2: {  	_ =	swait.ge [sflag:s23], $0x1  }
0xa3: {  	[sflag:s23] =	ssyncset.done $0x0  }
0xa4: {  	s25 =	simm.s32 $0x1B8E;
	s24 =	sld [smem:$0x3FFE];
	[sflag:s23] =	ssyncadd.s32 $0xFFFFFFFF  }
0xa5: {  	s26 =	simm.s32 $execute0_lowered;
	[smem:$0x3FD2] =	sst s25  }
0xa6: {  	s4 =	sshll.u32 s26, $0x1;
	_ =	strace $0x8000004F;
	[dreg:$0x1] =	wrdreg $0xFFFFFFFF  }
0xa7: {  	s28 =	simm.s32 $_size_execute0_lowered;
	s2 =	sadd.s32 s2, s4;
	[dreg:$0x0] =	wrdreg $0x0  }
0xa8: {  	s4 =	sshll.u32 s28, $0x1;
	[dreg:$0x2] =	wrdreg s2  }
0xa9: {  	[dreg:$0x3] =	wrdreg s4  }
0xaa: {  	[dreg:$0x4] =	wrdreg $0xC0  }
0xab: {  	_ =	task [dreg:s6], $0x5FFFF  }
0xac: {  	[dreg:$0x1] =	wrdreg $0xFFFFFFFF  }
0xad: {  	[dreg:$0x0] =	wrdreg $0x60  }
0xae: {  	[dreg:$0x2] =	wrdreg s24  }
0xaf: {  	[dreg:$0x3] =	wrdreg $0xA9000  }
0xb0: {  	[dreg:$0x4] =	wrdreg $0x9  }
0xb1: {  	_ =	task.clear_ibuf [dreg:s6], $0x5FFFF;
	_ =	strace $0x9000004F  }
0xb2: {  	s29 =	simm.s32 $0x9;
	_ =	strace $0x80000051  }
0xb3: {  	_ =	swait.ge [sflag:s29], $0x1  }
0xb4: {  	[sflag:s29] =	ssyncadd.s32 $0xFFFFFFFF  }
0xb5: {  	_ =	strace $0x90000051  }
0xb6: {  	_ =	sfence  }
0xb7: {  	s30 =	sld [smem:$0x0];
	_ =	sdelay $0x2  }
0xb8: {  	s31 =	sshll.u32 s1, $0xD;
	s1 =	sshrl.u32 s1, $0x2  }
0xb9: {  	s3 =	sand.u32 $0x4000, s31;
	s1 =	sadd.s32 s1, s30  }
0xba: {  	s0 =	sor.u32 s3, s0;
	s1 =	sshll.u32 s1, $0x11  }
0xbb: {  	s0 =	sor.u32 s1, s0  }
0xbc: {  	s0 =	sadd.s32 $0x8F2B, s0  }
0xbd: {  	[sflag:s0] =	ssyncadd.remote.s32 $0x1  }
0xbe: {  	_ =	sfence.sel $0xFFFF  }
0xbf: {  	[dreg:$0x0] =	wrdreg $0xFFFFFFFF;
	(pc) =	sbr.abs _section_cstart, $3  }
0xc0: {  	[dreg:$0x1] =	wrdreg $0xFFFFFFFF  }
0xc1: {  	_ =	task.clear_ibuf [dreg:s6], $0x2FFFF;
	_ =	strace $0x9FFFFFFF  }
0xc2: {  	(tm) =	ssettm $0x7FFFFFFF  }
0xc3: {  	_ =	shalt  }
tec
execute0_lowered:
.L_overlay_start_1:
0x0: {  	(tag) =	ssettag $0x1  }
0x1: {  	s0 =	srdreg.scid;
	s7 =	rddreg [dreg:$0x0]  }
0x2: {  	s1 =	rddreg [dreg:$0x1];
	s12 =	stileid.u32  }
0x3: {  	s2 =	simm.s32 $0x0;
	s13 =	simm.s32 $0x4;
	s15 =	simm.s32 $0x3  }
0x4: {  	s16 =	simm.s32 $0x80;
	s17 =	simm.s32 $0x2900;
	s18 =	simm.s32 $0x1  }
0x5: {  	s19 =	simm.s32 $0x6900;
	s20 =	simm.s32 $0x2;
	s21 =	simm.s32 $0x2800  }
0x6: {  	s22 =	simm.s32 $0x0;
	s6 =	sand.u32 $0x1, s0;
	s0 =	rddreg [dreg:$0x2]  }
0x7: {  	[smem:$0x7FF] =	sst s2;
	s4 =	sadd.s32 $0x35000, s7;
	s3 =	sshll.u32 s6, $0x4  }
0x8: {  	s5 =	sadd.s32 $0x85000, s7;
	s9 =	smul.u32 $0x28000, s6;
	s3 =	sor.u32 s12, s3  }
0x9: {  	p0 =	sne.s32 s12, $0x0;
	_ =	strace $0x80000050;
	s3 =	smul.u32 $0x2800, s3  }
.Ltmp0:
0xa: {  	s11 =	ssub.s32 $0x2, s6;
	s6 =	sadd.s32 $0xD000, s7;
	(pc) =	sbr.rel .LBB2_1-.Ltmp0, $4  }
0xb: {  	s14 =	sshrl.u32 @!p0 s1, $0x3;
	s31 =	sshrl.u32 s11, $0x1;
	s12 =	simm.s32 $0x100  }
0xc: {  	s9 =	sadd.s32 s9, s7;
	s11 =	ssub.s32 s11, s31;
	s8 =	sshrl.u32 s3, $0x3  }
0xd: {  	s9 =	sadd.s32 $0x8F000, s9;
	s10 =	sadd.s32 s8, s7;
	s8 =	sadd.s32 s5, s8  }
0xe: {  	s7 =	sadd.s32 $0x3000, s10;
	s10 =	smax.u32 s11, $0x1;
	s11 =	sadd.s32 $0x10, s8  }
.LBB2_3:
0xf: {  	[spmem:s1] =	stream.indirect.scatter.add.f32 [tilespmem:s29], [sflag:$0x2], $0x80, s21, s16, $0xb8;
	[tilespmem:$0x1E900] =	vst v63  }
.LBB2_5:
0x10: {  	_ =	swait.ge [sflag:s20], $0x4000  }
0x11: {  	[sflag:s20] =	ssyncset.done $0x0  }
0x12: {  	s22 =	sadd.s32 $0x1, s22;
	[sflag:s20] =	ssyncadd.s32 $0xFFFFC000  }
0x13: {  	s23 =	simm.s32 @!p0 $0x1C04;
	p1 =	sne.s32 s22, s10;
	[bflag:$0x0] =	sbarrier.arrive $0xFFFF  }
0x14: {  	[hbm:s9], [sflag:s23] =	dma.local @!p0 [spmem:s14], $0x28000  }
.Ltmp1:
0x15: {  	_ = 	snop;
	(pc) =	sbr.rel @!p1 .LBB2_6-.Ltmp1, $4  }
0x16: {  	s23 =	simm.s32 @!p0 $0x4  }
0x17: {  	_ =	swait.ge @!p0 [sflag:s23], $0x28000  }
0x18: {  	[sflag:s23] =	ssyncset.done @!p0 $0x0  }
0x19: {  	[sflag:s23] =	ssyncadd.s32 @!p0 $0xFFFD8000  }
.LBB2_1:
0x1a: {  	[tilespmem:s12], [sflag:$0x4] =	stream.linear.gather [hbm4b:s7+s2], $0x2780, $0x38;
	[tilespmem:$0x1E900] =	vst v63  }
0x1b: {  	_ =	swait.ge [sflag:s13], $0x2780  }
0x1c: {  	[sflag:s13] =	ssyncset.done $0x0  }
0x1d: {  	s23 =	simm.s32 @!p0 $0x1C04;
	[sflag:s13] =	ssyncadd.s32 $0xFFFFD880  }
0x1e: {  	[spmem:s14], [sflag:s23] =	dma.local @!p0 [hbm:s6], $0x28000  }
0x1f: {  	s23 =	simm.s32 @!p0 $0x4  }
0x20: {  	_ =	swait.ge @!p0 [sflag:s23], $0x28000  }
0x21: {  	[sflag:s23] =	ssyncset.done @!p0 $0x0  }
0x22: {  	[sflag:s23] =	ssyncadd.s32 @!p0 $0xFFFD8000  }
0x23: {  	[bflag:$0x0] =	sbarrier.arrive $0xFFFF  }
0x24: {  	[tilespmem:s2], [sflag:$0x3] =	stream.linear.gather [hbm4b:s8+s2], $0x80, $0x38;
	[tilespmem:$0x1E900] =	vst v63  }
0x25: {  	_ =	swait.ge [sflag:s15], $0x80  }
0x26: {  	[sflag:s15] =	ssyncset.done $0x0  }
0x27: {  	[sflag:s15] =	ssyncadd.s32 $0xFFFFFF80  }
0x28: {  	[tilespmem:s17], [sflag:$0x1] =	stream.indirect.gather [hbm4b:s4+s16], $0x80, s2, s16, $0xb8;
	[tilespmem:$0x1E900] =	vst v63  }
0x29: {  	_ = 	snop  }
0x2a: {  	[tilespmem:s16], [sflag:$0x3] =	stream.linear.gather [hbm4b:s11+s2], $0x80, $0x38;
	[tilespmem:$0x1E900] =	vst v63  }
0x2b: {  	_ =	swait.ge [sflag:s18], $0x4000  }
0x2c: {  	[sflag:s18] =	ssyncset.done $0x0  }
0x2d: {  	[sflag:s18] =	ssyncadd.s32 $0xFFFFC000  }
0x2e: {  	_ =	swait.ge [sflag:s15], $0x80  }
0x2f: {  	[sflag:s15] =	ssyncset.done $0x0  }
0x30: {  	s24 =	simm.s32 $0x10000;
	[sflag:s15] =	ssyncadd.s32 $0xFFFFFF80  }
0x31: {  	[tilespmem:s19], [sflag:$0x1] =	stream.indirect.gather [hbm4b:s4+s16], $0x80, s16, s16, $0xb8;
	[tilespmem:$0x1E900] =	vst v63  }
0x32: {  	s25 =	simm.s32 $0x100;
	s26 =	simm.s32 $0x2;
	s23 =	simm.s32 $0x180  }
0x33: {  	[spmem:s1] =	stream.indirect.scatter.add.f32 [tilespmem:s17], [sflag:$0x2], $0x80, s12, s16, $0xb8;
	[tilespmem:$0x1E900] =	vst v63  }
.LBB2_2:
0x34: {  	p1 =	seq.s32 s26, $0x4F  }
0x35: {  	s28 =	sand.u32 @!p1 $0x7C00, s25  }
0x36: {  	s29 =	sand.u32 @!p1 $0x380, s25;
	s28 =	sadd.s32 @!p1 s3, s28  }
0x37: {  	s29 =	sor.u32 @!p1 s29, s28  }
0x38: {  	s28 =	sand.u32 $0x1, s26;
	s29 =	sshrl.u32 @!p1 s29, $0x3  }
0x39: {  	s31 =	simm.s32 @!p1 $0x0;
	s30 =	sshll.u32 @!p1 s28, $0x7;
	s29 =	sadd.s32 @!p1 s5, s29  }
0x3a: {  	[tilespmem:s30], [sflag:$0x3] =	stream.linear.gather @!p1 [hbm4b:s29+s31], $0x80, $0x38;
	[tilespmem:$0x1E900] =	vst v63  }
0x3b: {  	p1 =	sne.s32 s26, $0x4F;
	_ =	swait.ge [sflag:s18], $0x4000  }
.Ltmp2:
0x3c: {  	[sflag:s18] =	ssyncset.done $0x0;
	(pc) =	sbr.rel @!p1 .LBB2_3-.Ltmp2, $4  }
0x3d: {  	[sflag:s18] =	ssyncadd.s32 $0xFFFFC000  }
0x3e: {  	s29 =	sand.u32 $0x10000, s24;
	_ =	swait.ge [sflag:s20], $0x4000  }
0x3f: {  	s29 =	sshrl.u32 s29, $0x2;
	[sflag:s20] =	ssyncset.done $0x0  }
0x40: {  	s29 =	sor.u32 $0x2900, s29;
	[sflag:s20] =	ssyncadd.s32 $0xFFFFC000  }
0x41: {  	_ =	swait.ge [sflag:s15], $0x80;
	s30 =	sshll.u32 s28, $0xE  }
0x42: {  	s31 =	sshll.u32 s28, $0x7;
	s26 =	sadd.s32 $0x1, s26;
	[sflag:s15] =	ssyncset.done $0x0  }
0x43: {  	s30 =	sor.u32 $0x2900, s30;
	p1 =	sne.s32 s26, $0x50;
	[sflag:s15] =	ssyncadd.s32 $0xFFFFFF80  }
0x44: {  	[tilespmem:s30], [sflag:$0x1] =	stream.indirect.gather [hbm4b:s4+s16], $0x80, s31, s16, $0xb8;
	[tilespmem:$0x1E900] =	vst v63  }
.Ltmp3:
0x45: {  	_ = 	snop;
	(pc) =	sbr.rel @p1 .LBB2_2-.Ltmp3, $4  }
.Ltmp4:
0x46: {  	_ = 	snop;
	(pc) =	sbr.rel @!p1 .LBB2_5-.Ltmp4, $4  }
0x47: {  	_ = 	snop  }
0x48: {  	[spmem:s1] =	stream.indirect.scatter.add.f32 [tilespmem:s29], [sflag:$0x2], $0x80, s23, s16, $0xb8;
	[tilespmem:$0x1E900] =	vst v63  }
0x49: {  	s25 =	sadd.s32 $0x80, s25;
	s24 =	sadd.s32 $0x10000, s24;
	s23 =	sadd.s32 $0x80, s23  }
0x4a: {  	_ = 	snop  }
.LBB2_6:
0x4b: {  	_ =	sfence.sel $0x180000  }
0x4c: {  	[bflag:$0x0] =	sbarrier.arrive $0xFFFF  }
0x4d: {  	_ =	strace $0x90000050  }
0x4e: {  	s0 =	sadd.s32 @!p0 $0x100000, s0;
	[bflag:$0x2] =	sbarrier.arrive $0xFFFF  }
0x4f: {  	[sflag:s0] =	ssyncadd.tile.s32 @!p0 $0x1;
	_ =	shalt  }
.Lfunc_end2:
_tile_overlayer_lowered:
.L_overlay_start_2:
0x50: {  	(tag) =	ssettag $0x2  }
0x51: {  	s0 =	rddreg [dreg:$0x0];
	s2 =	stileid.u32  }
0x52: {  	s1 =	rddreg [dreg:$0x1];
	p0 =	sne.s32 s2, $0x0  }
0x53: {  	s3 =	rddreg [dreg:$0x2];
	[bflag:$0x3] =	sbarrier.arrive $0xFFFF;
	s2 =	simm.s32 @!p0 $0x1C04  }
0x54: {  	[timem:s3], [sflag:s2] =	dma.local @!p0 [hbm:s0], s1  }
0x55: {  	s0 =	simm.s32 @!p0 $0x4  }
0x56: {  	_ =	swait.ge @!p0 [sflag:s0], s1  }
0x57: {  	s1 =	ssub.s32 @!p0 $0x0, s1;
	[sflag:s0] =	ssyncset.done @!p0 $0x0  }
0x58: {  	[sflag:s0] =	ssyncadd.s32 @!p0 s1  }
0x59: {  	[bflag:$0x3] =	sbarrier.arrive $0xFFFF  }
0x5a: {  	_ =	shalt  }

</sc_bundles>
